<compile_context>
chip_gen: v7x
topology: tpu7x:2x2x1
jax: 0.10.2.dev20260603
libtpu: 0.0.44.dev20260713+nightly
codegen_flags: <defaults>
</compile_context>

<pallas_src>
import functools

import jax
import jax.numpy as jnp
from jax import lax
from jax.experimental import pallas as pl
from jax.experimental.pallas import tpu as pltpu
from jax.experimental.pallas import tpu_sc as plsc

N = 10000
E = 320000
D = 128
NA = 8
NB = 8
MG = 64

BN = 1000
BE = 4000

NC = 2
NS = 16
NW = NC * NS

_INV_SQRT_D = 1.0 / (D ** 0.5)
_INV_SQRT_NB = 1.0 / (NB ** 0.5)
_INV_SQRT_DNA = 1.0 / ((D * NA) ** 0.5)


def _pre_body(x_ref, attrs_ref, wlin1_ref, wsc_ref, x1_ref, scs_ref):
    x = x_ref[...]
    x1_ref[...] = jnp.dot(x, wlin1_ref[...],
                          preferred_element_type=jnp.float32) * _INV_SQRT_D
    attrs = attrs_ref[...]
    acc = jnp.zeros((BN, D + MG), jnp.float32)
    for v in range(NA):
        acc = acc + jnp.dot(x * attrs[:, v:v + 1], wsc_ref[v],
                            preferred_element_type=jnp.float32)
    scs_ref[...] = acc * _INV_SQRT_DNA


def _msg_body(ee_ref, ea_ref, xi_ref, wfc1_ref, wfc2_ref, out_ref):
    ee = ee_ref[...]
    h = jnp.dot(ee, wfc1_ref[...], preferred_element_type=jnp.float32) * _INV_SQRT_NB
    h = h * jax.nn.sigmoid(h)
    w = jnp.dot(h, wfc2_ref[...], preferred_element_type=jnp.float32) * _INV_SQRT_NB
    xi = xi_ref[...]
    w0 = w[:, :D]
    w1 = w[:, D:]
    ea = ea_ref[...]
    out_ref[:, 0:D] = xi * w0 * ea[:, 0:1]
    xw = xi * w1
    for c in range(3):
        out_ref[:, D * (c + 1):D * (c + 2)] = xw * ea[:, c + 1:c + 2]


def _post_body(xout_ref, scs_ref, wl2s_ref, wl2v_ref, out_ref):
    s_out = jnp.dot(xout_ref[:, :D], wl2s_ref[...],
                    preferred_element_type=jnp.float32) * _INV_SQRT_D
    feat_s = s_out + scs_ref[...]
    scalars = feat_s[:, :D]
    out_ref[:, :D] = scalars * jax.nn.sigmoid(scalars)
    gates = feat_s[:, D:D + MG]
    gates = gates * jax.nn.sigmoid(gates)
    for c in range(3):
        v_c = jnp.dot(xout_ref[:, D * (c + 1):D * (c + 2)], wl2v_ref[...],
                      preferred_element_type=jnp.float32) * _INV_SQRT_D
        out_ref[:, D + MG * c:D + MG * (c + 1)] = v_c * gates



NP = 10240

_SC_MESH = plsc.VectorSubcoreMesh(core_axis_name="c", subcore_axis_name="s")

KG = 80
GEPW = E // NW
NBG = GEPW // KG

KS = 80
EPS = E // NS
NBS = EPS // KS
NPS = NP // NS


@functools.partial(
    pl.kernel,
    out_type=jax.ShapeDtypeStruct((E, D), jnp.float32),
    mesh=_SC_MESH,
    scratch_types=[
        pltpu.VMEM((NBG, KG), jnp.int32),
        pltpu.VMEM((KG, D), jnp.float32),
        pltpu.VMEM((KG, D), jnp.float32),
        pltpu.SemaphoreType.DMA,
        pltpu.SemaphoreType.DMA,
        pltpu.SemaphoreType.DMA,
        pltpu.SemaphoreType.DMA,
    ],
)
def _gather_sc(x1_hbm, eig_hbm, out_hbm, idx_v, rows0, rows1,
               gsem0, gsem1, ssem0, ssem1):
    wid = lax.axis_index("s") * NC + lax.axis_index("c")
    base = wid * GEPW
    rows = (rows0, rows1)
    gsems = (gsem0, gsem1)
    ssems = (ssem0, ssem1)

    pltpu.sync_copy(eig_hbm.at[wid], idx_v)

    for b in range(2):
        pltpu.async_copy(x1_hbm.at[idx_v.at[b]], rows[b], gsems[b])

    def body(gg, carry):
        for b in range(2):
            g = gg * 2 + b
            off = pl.multiple_of(base + g * KG, KG)
            pltpu.make_async_copy(x1_hbm.at[idx_v.at[g]], rows[b],
                                  gsems[b]).wait()
            pltpu.async_copy(rows[b], out_hbm.at[pl.ds(off, KG)], ssems[b])

            @pl.when(g + 2 < NBG)
            def _prep():
                pltpu.make_async_copy(rows[b], out_hbm.at[pl.ds(off, KG)],
                                      ssems[b]).wait()
                pltpu.async_copy(x1_hbm.at[idx_v.at[g + 2]], rows[b],
                                 gsems[b])
        return carry

    lax.fori_loop(0, (NBG - 1) // 2, body, 0)
    g_last = NBG - 1
    off = pl.multiple_of(base + g_last * KG, KG)
    pltpu.make_async_copy(x1_hbm.at[idx_v.at[g_last]], rows[0],
                          gsems[0]).wait()
    pltpu.async_copy(rows[0], out_hbm.at[pl.ds(off, KG)], ssems[0])
    off_m2 = pl.multiple_of(base + (NBG - 2) * KG, KG)
    pltpu.make_async_copy(rows[1], out_hbm.at[pl.ds(off_m2, KG)],
                          ssems[1]).wait()
    pltpu.make_async_copy(rows[0], out_hbm.at[pl.ds(off, KG)],
                          ssems[0]).wait()


@functools.partial(
    pl.kernel,
    out_type=jax.ShapeDtypeStruct((NP, 4 * D), jnp.float32),
    mesh=_SC_MESH,
    scratch_types=[
        pltpu.VMEM((1, KS), jnp.int32),
        pltpu.VMEM((1, KS), jnp.int32),
        pltpu.VMEM((KS, D), jnp.float32),
        pltpu.VMEM((KS, D), jnp.float32),
        pltpu.SemaphoreType.DMA,
        pltpu.SemaphoreType.DMA,
        pltpu.SemaphoreType.DMA,
        pltpu.SemaphoreType.DMA,
        pltpu.SemaphoreType.DMA,
        pltpu.SemaphoreType.DMA,
        pltpu.VMEM_SHARED((NP, D), jnp.float32),
    ],
)
def _scatter_sc(msgs_hbm, ejg_hbm, zeros_hbm, out_hbm, idx0, idx1,
                rows0, rows1, msem0, msem1, asem0, asem1, isem0, isem1, acc):
    core = lax.axis_index("c")
    sid = lax.axis_index("s")
    idxs = (idx0, idx1)
    rows = (rows0, rows1)
    msems = (msem0, msem1)
    asems = (asem0, asem1)
    isems = (isem0, isem1)
    for r in range(4 // NC):
        chunk = core * (4 // NC) + r
        col0 = pl.multiple_of(chunk * D, D)
        row0 = pl.multiple_of(sid * NPS, NPS)
        pltpu.sync_copy(zeros_hbm.at[pl.ds(row0, NPS)],
                        acc.at[pl.ds(row0, NPS)])
        plsc.subcore_barrier()

        for b in range(2):
            blk = sid * NBS + b
            e0 = pl.multiple_of(sid * EPS + b * KS, KS)
            pltpu.async_copy(ejg_hbm.at[pl.ds(blk, 1)], idxs[b], isems[b])
            pltpu.async_copy(msgs_hbm.at[pl.ds(e0, KS), pl.ds(col0, D)],
                             rows[b], msems[b])

        def body(gg, carry):
            for b in range(2):
                g = gg * 2 + b
                blk = sid * NBS + g
                blk2 = sid * NBS + g + 2
                e0 = pl.multiple_of(sid * EPS + g * KS, KS)
                e2 = pl.multiple_of(sid * EPS + (g + 2) * KS, KS)
                pltpu.make_async_copy(ejg_hbm.at[pl.ds(blk, 1)], idxs[b],
                                      isems[b]).wait()
                pltpu.make_async_copy(
                    msgs_hbm.at[pl.ds(e0, KS), pl.ds(col0, D)],
                    rows[b], msems[b]).wait()
                pltpu.async_copy(rows[b], acc.at[idxs[b].at[0]], asems[b],
                                 add=True)
                pltpu.make_async_copy(rows[b], acc.at[idxs[b].at[0]],
                                      asems[b]).wait()
                pltpu.async_copy(ejg_hbm.at[pl.ds(blk2, 1)], idxs[b],
                                 isems[b])
                pltpu.async_copy(msgs_hbm.at[pl.ds(e2, KS), pl.ds(col0, D)],
                                 rows[b], msems[b])
            return carry

        lax.fori_loop(0, NBS // 2 - 1, body, 0)
        for b in range(2):
            g = NBS - 2 + b
            blk = sid * NBS + g
            e0 = pl.multiple_of(sid * EPS + g * KS, KS)
            pltpu.make_async_copy(ejg_hbm.at[pl.ds(blk, 1)], idxs[b],
                                  isems[b]).wait()
            pltpu.make_async_copy(
                msgs_hbm.at[pl.ds(e0, KS), pl.ds(col0, D)],
                rows[b], msems[b]).wait()
            pltpu.async_copy(rows[b], acc.at[idxs[b].at[0]], asems[b],
                             add=True)
        for b in range(2):
            pltpu.make_async_copy(rows[b], acc.at[idxs[b].at[0]],
                                  asems[b]).wait()
        plsc.subcore_barrier()
        pltpu.sync_copy(acc.at[pl.ds(row0, NPS)],
                        out_hbm.at[pl.ds(row0, NPS), pl.ds(col0, D)])
        plsc.subcore_barrier()


def _full(shape):
    ndim = len(shape)
    return pl.BlockSpec(shape, lambda i, _n=ndim: (0,) * _n)


def kernel(node_features, node_attrs, edge_index, edge_attrs, edge_embedding,
           W_lin1, W_fc1, W_fc2, W_lin2_s, W_lin2_v, W_sc):
    wsc_t = W_sc.transpose(1, 0, 2)
    x1, sc_s = pl.pallas_call(
        _pre_body,
        grid=(N // BN,),
        in_specs=[
            pl.BlockSpec((BN, D), lambda i: (i, 0)),
            pl.BlockSpec((BN, NA), lambda i: (i, 0)),
            _full((D, D)),
            _full((NA, D, D + MG)),
        ],
        out_specs=[
            pl.BlockSpec((BN, D), lambda i: (i, 0)),
            pl.BlockSpec((BN, D + MG), lambda i: (i, 0)),
        ],
        out_shape=[
            jax.ShapeDtypeStruct((N, D), jnp.float32),
            jax.ShapeDtypeStruct((N, D + MG), jnp.float32),
        ],
    )(node_features, node_attrs, W_lin1, wsc_t)

    eig = edge_index[0].reshape(NW, NBG, KG)
    x_i = _gather_sc(x1, eig)

    msgs = pl.pallas_call(
        _msg_body,
        grid=(E // BE,),
        in_specs=[
            pl.BlockSpec((BE, NB), lambda i: (i, 0)),
            pl.BlockSpec((BE, 4), lambda i: (i, 0)),
            pl.BlockSpec((BE, D), lambda i: (i, 0)),
            _full((NB, NB)),
            _full((NB, 2 * D)),
        ],
        out_specs=pl.BlockSpec((BE, 4 * D), lambda i: (i, 0)),
        out_shape=jax.ShapeDtypeStruct((E, 4 * D), jnp.float32),
    )(edge_embedding, edge_attrs, x_i, W_fc1, W_fc2)

    ejg = edge_index[1].reshape(E // KS, KS)
    zeros = jnp.zeros((NP, D), jnp.float32)
    x_out = _scatter_sc(msgs, ejg, zeros)

    out_c = pl.pallas_call(
        _post_body,
        grid=(N // BN,),
        in_specs=[
            pl.BlockSpec((BN, 4 * D), lambda i: (i, 0)),
            pl.BlockSpec((BN, D + MG), lambda i: (i, 0)),
            _full((D, D + MG)),
            _full((D, MG)),
        ],
        out_specs=pl.BlockSpec((BN, D + 3 * MG), lambda i: (i, 0)),
        out_shape=jax.ShapeDtypeStruct((N, D + 3 * MG), jnp.float32),
    )(x_out, sc_s, W_lin2_s, W_lin2_v)

    scalars = out_c[:, :D]
    gated = out_c[:, D:].reshape(N, 3, MG).transpose(0, 2, 1).reshape(N, 3 * MG)
    return jnp.concatenate([scalars, gated], axis=1)

# --- scband reference (transcript-rebuilt; emitter-appended) ---
"""Pipeline reference for scband-equivariant-gnn-21990232555992 (READ-ONLY COPY).

The authoritative reference and input builder live on the scoring server;
editing this copy changes nothing except your own understanding.
"""

import jax, jax.numpy as jnp
import numpy as np

N = 10000
E = 320000
D_IN = 128
N_ATTR = 8
N_BASIS = 8
MUL_GATED = 64


def setup_inputs(seed: int = 0) -> dict:
    key = jax.random.key(seed)
    ks = jax.random.split(key, 12)
    node_features = jax.random.normal(ks[0], (N, D_IN), dtype=jnp.float32)
    node_attrs = jax.random.normal(ks[1], (N, N_ATTR), dtype=jnp.float32)
    edge_index = jax.random.randint(ks[2], (2, E), 0, N, dtype=jnp.int32)
    # edge_attrs = spherical harmonics Y_lm(unit(r_ij)) for l in {0,1}, component normalization
    vec = jax.random.normal(ks[3], (E, 3), dtype=jnp.float32)
    unit = vec / jnp.linalg.norm(vec, axis=-1, keepdims=True)
    edge_attrs = jnp.concatenate([jnp.ones((E, 1), dtype=jnp.float32), jnp.sqrt(3.0) * unit], axis=1)
    edge_embedding = jax.random.uniform(ks[4], (E, N_BASIS), dtype=jnp.float32)
    # learned parameters (e3nn init: standard normal, normalization applied in forward)
    W_lin1 = jax.random.normal(ks[5], (D_IN, D_IN), dtype=jnp.float32)
    W_fc1 = jax.random.normal(ks[6], (N_BASIS, N_BASIS), dtype=jnp.float32)
    W_fc2 = jax.random.normal(ks[7], (N_BASIS, 2 * D_IN), dtype=jnp.float32)
    W_lin2_s = jax.random.normal(ks[8], (D_IN, D_IN + MUL_GATED), dtype=jnp.float32)
    W_lin2_v = jax.random.normal(ks[9], (D_IN, MUL_GATED), dtype=jnp.float32)
    W_sc = jax.random.normal(ks[10], (D_IN, N_ATTR, D_IN + MUL_GATED), dtype=jnp.float32)
    return {"node_features": node_features, "node_attrs": node_attrs, "edge_index": edge_index,
            "edge_attrs": edge_attrs, "edge_embedding": edge_embedding, "W_lin1": W_lin1,
            "W_fc1": W_fc1, "W_fc2": W_fc2, "W_lin2_s": W_lin2_s, "W_lin2_v": W_lin2_v, "W_sc": W_sc}


def reference(node_features, node_attrs, edge_index, edge_attrs, edge_embedding,
              W_lin1, W_fc1, W_fc2, W_lin2_s, W_lin2_v, W_sc):
    x = node_features
    edge_i = edge_index[0]
    edge_j = edge_index[1]
    # self-connection: FullyConnectedTensorProduct(128x0e x 8x0e -> 192x0e); no 0ex0e->1o path so vector part is 0
    sc_s = jnp.einsum('nu,nv,uvw->nw', x, node_attrs, W_sc) / jnp.sqrt(D_IN * N_ATTR)
    # linear_1: e3nn Linear 128x0e -> 128x0e (fan-in normalized)
    x1 = (x @ W_lin1) / jnp.sqrt(D_IN)
    # fc: FullyConnectedNet([8, 8, 256], silu) producing per-edge TP weights
    h = jax.nn.silu((edge_embedding @ W_fc1) / jnp.sqrt(N_BASIS))
    w = (h @ W_fc2) / jnp.sqrt(N_BASIS)  # [E, 256]
    w0 = w[:, :D_IN]
    w1 = w[:, D_IN:]
    # gather source node features (SparseCore gather)
    x_i = jnp.take(x1, edge_i, axis=0)  # [E, 128]
    y0 = edge_attrs[:, 0:1]
    y1 = edge_attrs[:, 1:4]
    # TensorProduct 'uvu': 128x0e (x) (1x0e+1x1o) -> 128x0e + 128x1o, per-edge weights
    m0 = x_i * y0 * w0  # [E, 128]
    m1 = (x_i * w1)[:, :, None] * y1[:, None, :]  # [E, 128, 3]
    msgs = jnp.concatenate([m0, m1.reshape(E, D_IN * 3)], axis=1)  # [E, 512]
    # scatter-add to destination nodes (SparseCore scatter)
    x_out = jnp.zeros((N, D_IN * 4), dtype=x.dtype).at[edge_j].add(msgs)
    # linear_2: e3nn Linear 128x0e+128x1o -> 192x0e+64x1o (block-diagonal per irrep)
    s_in = x_out[:, :D_IN]
    v_in = x_out[:, D_IN:].reshape(N, D_IN, 3)
    s_out = (s_in @ W_lin2_s) / jnp.sqrt(D_IN)  # [N, 192]
    v_out = jnp.einsum('num,uw->nwm', v_in, W_lin2_v) / jnp.sqrt(D_IN)  # [N, 64, 3]
    feat = jnp.concatenate([s_out, v_out.reshape(N, MUL_GATED * 3)], axis=1)
    sc_full = jnp.concatenate([sc_s, jnp.zeros((N, MUL_GATED * 3), dtype=x.dtype)], axis=1)
    feat = feat + sc_full
    # Gate: silu on 128 scalars, silu on 64 gate scalars, gate the 64x1o vectors
    scalars = jax.nn.silu(feat[:, :D_IN])
    gates = jax.nn.silu(feat[:, D_IN:D_IN + MUL_GATED])
    gated = feat[:, D_IN + MUL_GATED:].reshape(N, MUL_GATED, 3) * gates[:, :, None]
    out = jnp.concatenate([scalars, gated.reshape(N, MUL_GATED * 3)], axis=1)  # [N, 320]
    # output irreps (320) != input irreps (128) -> no residual add
    return out

if __name__ == "__main__":
    import jax
    _d = setup_inputs()
    print(jax.jit(kernel)(*tuple(_d.values())))

</pallas_src>

<mosaic_0001>
#map = affine_map<(d0, d1) -> (0, 0)>
module attributes {stable_mosaic.version = 14 : i64} {
  func.func @_scatter_sc(%arg0: i32, %arg1: i32, %arg2: memref<320000x512xf32, #tpu.memory_space<hbm>>, %arg3: memref<4000x80xi32, #tpu.memory_space<hbm>>, %arg4: memref<10240x128xf32, #tpu.memory_space<hbm>>, %arg5: memref<10240x512xf32, #tpu.memory_space<hbm>>, %arg6: memref<1x80xi32, #tpu.memory_space<vmem>>, %arg7: memref<1x80xi32, #tpu.memory_space<vmem>>, %arg8: memref<80x128xf32, #tpu.memory_space<vmem>>, %arg9: memref<80x128xf32, #tpu.memory_space<vmem>>, %arg10: memref<!tpu.dma_semaphore, #tpu.memory_space<semaphore_mem>>, %arg11: memref<!tpu.dma_semaphore, #tpu.memory_space<semaphore_mem>>, %arg12: memref<!tpu.dma_semaphore, #tpu.memory_space<semaphore_mem>>, %arg13: memref<!tpu.dma_semaphore, #tpu.memory_space<semaphore_mem>>, %arg14: memref<!tpu.dma_semaphore, #tpu.memory_space<semaphore_mem>>, %arg15: memref<!tpu.dma_semaphore, #tpu.memory_space<semaphore_mem>>, %arg16: memref<10240x128xf32, #tpu.memory_space<vmem_shared>>) attributes {dimension_semantics = [#tpu.dimension_semantics<core_parallel>, #tpu.dimension_semantics<subcore_parallel>], iteration_bounds = array<i64: 2, 16>, scalar_prefetch = 0 : i64, scratch_operands = 11 : i64, tpu.core_type = #tpu.core_type<sc_vector_subcore>, window_params = [{transform_indices = #map}, {transform_indices = #map}, {transform_indices = #map}, {transform_indices = #map}]} {
    %mul3A = arith.constant 2 : i32
    %mul3A_0 = arith.muli %arg0, %mul3A : i32
    %add3A = arith.constant 0 : i32
    %add3A_1 = arith.addi %mul3A_0, %add3A : i32
    %mul3A_2 = arith.constant 128 : i32
    %mul3A_3 = arith.muli %add3A_1, %mul3A_2 : i32
    %multiple_of3A = tpu.assume_multiple %mul3A_3, 128 : i32
    %mul3A_4 = arith.constant 640 : i32
    %mul3A_5 = arith.muli %arg1, %mul3A_4 : i32
    %multiple_of3A_6 = tpu.assume_multiple %mul3A_5, 640 : i32
    "tpu.region"() ({
      %run_scoped3A = tpu.sem_alloc : memref<!tpu.dma_semaphore, #tpu.memory_space<semaphore_mem>>
      %dma_start3A_207 = arith.constant 0 : i32
      %dma_start3A_208 = tpu.memref_slice %arg16[%multiple_of3A_6, %dma_start3A_207] : memref<10240x128xf32, #tpu.memory_space<vmem_shared>> -> memref<640x128xf32, #tpu.memory_space<vmem_shared>>
      %dma_start3A_209 = arith.constant 0 : i32
      %dma_start3A_210 = tpu.memref_slice %arg4[%multiple_of3A_6, %dma_start3A_209] : memref<10240x128xf32, #tpu.memory_space<hbm>> -> memref<640x128xf32, #tpu.memory_space<hbm>>
      tpu.enqueue_dma source(%dma_start3A_210 : memref<640x128xf32, #tpu.memory_space<hbm>>) target(%dma_start3A_208 : memref<640x128xf32, #tpu.memory_space<vmem_shared>>) target_semaphore(%run_scoped3A : memref<!tpu.dma_semaphore, #tpu.memory_space<semaphore_mem>>)
      %dma_wait3A_211 = arith.constant 0 : i32
      %dma_wait3A_212 = tpu.memref_slice %arg16[%multiple_of3A_6, %dma_wait3A_211] : memref<10240x128xf32, #tpu.memory_space<vmem_shared>> -> memref<640x128xf32, #tpu.memory_space<vmem_shared>>
      %dma_wait3A_213 = arith.constant 0 : i32
      %dma_wait3A_214 = tpu.memref_slice %arg4[%multiple_of3A_6, %dma_wait3A_213] : memref<10240x128xf32, #tpu.memory_space<hbm>> -> memref<640x128xf32, #tpu.memory_space<hbm>>
      tpu.wait_dma2 semaphore(%run_scoped3A : memref<!tpu.dma_semaphore, #tpu.memory_space<semaphore_mem>>) src(%dma_wait3A_214 : memref<640x128xf32, #tpu.memory_space<hbm>>) dst(%dma_wait3A_212 : memref<640x128xf32, #tpu.memory_space<vmem_shared>>)
      tpu.yield
    }) : () -> ()
    %barrier3A = arith.constant 0 : index
    tpu.barrier barrier_id(%barrier3A)
    %mul3A_7 = arith.constant 250 : i32
    %mul3A_8 = arith.muli %arg1, %mul3A_7 : i32
    %add3A_9 = arith.constant 0 : i32
    %add3A_10 = arith.addi %mul3A_8, %add3A_9 : i32
    %mul3A_11 = arith.constant 20000 : i32
    %mul3A_12 = arith.muli %arg1, %mul3A_11 : i32
    %add3A_13 = arith.constant 0 : i32
    %add3A_14 = arith.addi %mul3A_12, %add3A_13 : i32
    %multiple_of3A_15 = tpu.assume_multiple %add3A_14, 80 : i32
    %dma_start3A = arith.constant 0 : i32
    %dma_start3A_16 = tpu.memref_slice %arg3[%add3A_10, %dma_start3A] : memref<4000x80xi32, #tpu.memory_space<hbm>> -> memref<1x80xi32, #tpu.memory_space<hbm>>
    %dma_start3A_17 = arith.constant 0 : i32
    %dma_start3A_18 = tpu.memref_slice %arg3[%add3A_10, %dma_start3A_17] : memref<4000x80xi32, #tpu.memory_space<hbm>> -> memref<1x80xi32, #tpu.memory_space<hbm>>
    tpu.enqueue_dma source(%dma_start3A_18 : memref<1x80xi32, #tpu.memory_space<hbm>>) target(%arg6 : memref<1x80xi32, #tpu.memory_space<vmem>>) target_semaphore(%arg14 : memref<!tpu.dma_semaphore, #tpu.memory_space<semaphore_mem>>)
    %dma_start3A_19 = tpu.memref_slice %arg2[%multiple_of3A_15, %multiple_of3A] : memref<320000x512xf32, #tpu.memory_space<hbm>> -> memref<80x128xf32, #tpu.memory_space<hbm>>
    %dma_start3A_20 = tpu.memref_slice %arg2[%multiple_of3A_15, %multiple_of3A] : memref<320000x512xf32, #tpu.memory_space<hbm>> -> memref<80x128xf32, #tpu.memory_space<hbm>>
    tpu.enqueue_dma source(%dma_start3A_20 : memref<80x128xf32, #tpu.memory_space<hbm>>) target(%arg8 : memref<80x128xf32, #tpu.memory_space<vmem>>) target_semaphore(%arg10 : memref<!tpu.dma_semaphore, #tpu.memory_space<semaphore_mem>>)
    %mul3A_21 = arith.constant 250 : i32
    %mul3A_22 = arith.muli %arg1, %mul3A_21 : i32
    %add3A_23 = arith.constant 1 : i32
    %add3A_24 = arith.addi %mul3A_22, %add3A_23 : i32
    %mul3A_25 = arith.constant 20000 : i32
    %mul3A_26 = arith.muli %arg1, %mul3A_25 : i32
    %add3A_27 = arith.constant 80 : i32
    %add3A_28 = arith.addi %mul3A_26, %add3A_27 : i32
    %multiple_of3A_29 = tpu.assume_multiple %add3A_28, 80 : i32
    %dma_start3A_30 = arith.constant 0 : i32
    %dma_start3A_31 = tpu.memref_slice %arg3[%add3A_24, %dma_start3A_30] : memref<4000x80xi32, #tpu.memory_space<hbm>> -> memref<1x80xi32, #tpu.memory_space<hbm>>
    %dma_start3A_32 = arith.constant 0 : i32
    %dma_start3A_33 = tpu.memref_slice %arg3[%add3A_24, %dma_start3A_32] : memref<4000x80xi32, #tpu.memory_space<hbm>> -> memref<1x80xi32, #tpu.memory_space<hbm>>
    tpu.enqueue_dma source(%dma_start3A_33 : memref<1x80xi32, #tpu.memory_space<hbm>>) target(%arg7 : memref<1x80xi32, #tpu.memory_space<vmem>>) target_semaphore(%arg15 : memref<!tpu.dma_semaphore, #tpu.memory_space<semaphore_mem>>)
    %dma_start3A_34 = tpu.memref_slice %arg2[%multiple_of3A_29, %multiple_of3A] : memref<320000x512xf32, #tpu.memory_space<hbm>> -> memref<80x128xf32, #tpu.memory_space<hbm>>
    %dma_start3A_35 = tpu.memref_slice %arg2[%multiple_of3A_29, %multiple_of3A] : memref<320000x512xf32, #tpu.memory_space<hbm>> -> memref<80x128xf32, #tpu.memory_space<hbm>>
    tpu.enqueue_dma source(%dma_start3A_35 : memref<80x128xf32, #tpu.memory_space<hbm>>) target(%arg9 : memref<80x128xf32, #tpu.memory_space<vmem>>) target_semaphore(%arg11 : memref<!tpu.dma_semaphore, #tpu.memory_space<semaphore_mem>>)
    %scan3A = arith.constant 0 : i32
    %scan3A_36 = arith.constant 0 : i32
    %scan3A_37 = arith.constant 124 : i32
    %scan3A_38 = arith.addi %scan3A_36, %scan3A_37 : i32
    %scan3A_39 = arith.constant 1 : i32
    scf.for %scan3A_207 = %scan3A_36 to %scan3A_38 step %scan3A_39  : i32 {
      %mul3A_208 = arith.constant 2 : i32
      %mul3A_209 = arith.muli %scan3A_207, %mul3A_208 : i32
      %add3A_210 = arith.constant 0 : i32
      %add3A_211 = arith.addi %mul3A_209, %add3A_210 : i32
      %mul3A_212 = arith.constant 250 : i32
      %mul3A_213 = arith.muli %arg1, %mul3A_212 : i32
      %add3A_214 = arith.addi %mul3A_213, %add3A_211 : i32
      %mul3A_215 = arith.constant 250 : i32
      %mul3A_216 = arith.muli %arg1, %mul3A_215 : i32
      %add3A_217 = arith.addi %mul3A_216, %add3A_211 : i32
      %add3A_218 = arith.constant 2 : i32
      %add3A_219 = arith.addi %add3A_217, %add3A_218 : i32
      %mul3A_220 = arith.constant 20000 : i32
      %mul3A_221 = arith.muli %arg1, %mul3A_220 : i32
      %mul3A_222 = arith.constant 80 : i32
      %mul3A_223 = arith.muli %add3A_211, %mul3A_222 : i32
      %add3A_224 = arith.addi %mul3A_221, %mul3A_223 : i32
      %multiple_of3A_225 = tpu.assume_multiple %add3A_224, 80 : i32
      %mul3A_226 = arith.constant 20000 : i32
      %mul3A_227 = arith.muli %arg1, %mul3A_226 : i32
      %add3A_228 = arith.constant 2 : i32
      %add3A_229 = arith.addi %add3A_211, %add3A_228 : i32
      %mul3A_230 = arith.constant 80 : i32
      %mul3A_231 = arith.muli %add3A_229, %mul3A_230 : i32
      %add3A_232 = arith.addi %mul3A_227, %mul3A_231 : i32
      %multiple_of3A_233 = tpu.assume_multiple %add3A_232, 80 : i32
      %dma_wait3A_234 = arith.constant 0 : i32
      %dma_wait3A_235 = tpu.memref_slice %arg3[%add3A_214, %dma_wait3A_234] : memref<4000x80xi32, #tpu.memory_space<hbm>> -> memref<1x80xi32, #tpu.memory_space<hbm>>
      %dma_wait3A_236 = arith.constant 0 : i32
      %dma_wait3A_237 = tpu.memref_slice %arg3[%add3A_214, %dma_wait3A_236] : memref<4000x80xi32, #tpu.memory_space<hbm>> -> memref<1x80xi32, #tpu.memory_space<hbm>>
      tpu.wait_dma2 semaphore(%arg14 : memref<!tpu.dma_semaphore, #tpu.memory_space<semaphore_mem>>) src(%dma_wait3A_237 : memref<1x80xi32, #tpu.memory_space<hbm>>) dst(%arg6 : memref<1x80xi32, #tpu.memory_space<vmem>>)
      %dma_wait3A_238 = tpu.memref_slice %arg2[%multiple_of3A_225, %multiple_of3A] : memref<320000x512xf32, #tpu.memory_space<hbm>> -> memref<80x128xf32, #tpu.memory_space<hbm>>
      %dma_wait3A_239 = tpu.memref_slice %arg2[%multiple_of3A_225, %multiple_of3A] : memref<320000x512xf32, #tpu.memory_space<hbm>> -> memref<80x128xf32, #tpu.memory_space<hbm>>
      tpu.wait_dma2 semaphore(%arg10 : memref<!tpu.dma_semaphore, #tpu.memory_space<semaphore_mem>>) src(%dma_wait3A_239 : memref<80x128xf32, #tpu.memory_space<hbm>>) dst(%arg8 : memref<80x128xf32, #tpu.memory_space<vmem>>)
      %dma_start3A_240 = arith.constant 0 : i32
      %dma_start3A_241 = arith.constant 0 : i32
      %dma_start3A_242 = tpu.memref_slice %arg6[%dma_start3A_240, %dma_start3A_241] : memref<1x80xi32, #tpu.memory_space<vmem>> -> memref<1x80xi32, #tpu.memory_space<vmem>>
      %dma_start3A_243 = tpu.memref_squeeze %dma_start3A_242 : memref<1x80xi32, #tpu.memory_space<vmem>> -> memref<80xi32, #tpu.memory_space<vmem>>
      %dma_start3A_244 = arith.constant 0 : i32
      %dma_start3A_245 = arith.constant 0 : i32
      %dma_start3A_246 = tpu.memref_slice %arg16[%dma_start3A_244, %dma_start3A_245] : memref<10240x128xf32, #tpu.memory_space<vmem_shared>> -> memref<10240x128xf32, #tpu.memory_space<vmem_shared>>
      tpu.enqueue_indirect_dma source(%arg8 : memref<80x128xf32, #tpu.memory_space<vmem>>) target(%dma_start3A_246 : memref<10240x128xf32, #tpu.memory_space<vmem_shared>>) offsets(%dma_start3A_243 : memref<80xi32, #tpu.memory_space<vmem>>) semaphore(%arg12 : memref<!tpu.dma_semaphore, #tpu.memory_space<semaphore_mem>>) {add = true}
      %dma_wait3A_247 = arith.constant 0 : i32
      %dma_wait3A_248 = arith.constant 0 : i32
      %dma_wait3A_249 = tpu.memref_slice %arg6[%dma_wait3A_247, %dma_wait3A_248] : memref<1x80xi32, #tpu.memory_space<vmem>> -> memref<1x80xi32, #tpu.memory_space<vmem>>
      %dma_wait3A_250 = tpu.memref_squeeze %dma_wait3A_249 : memref<1x80xi32, #tpu.memory_space<vmem>> -> memref<80xi32, #tpu.memory_space<vmem>>
      %dma_wait3A_251 = arith.constant 0 : i32
      %dma_wait3A_252 = arith.constant 0 : i32
      %dma_wait3A_253 = tpu.memref_slice %arg16[%dma_wait3A_251, %dma_wait3A_252] : memref<10240x128xf32, #tpu.memory_space<vmem_shared>> -> memref<10240x128xf32, #tpu.memory_space<vmem_shared>>
      tpu.wait_indirect_dma semaphore(%arg12 : memref<!tpu.dma_semaphore, #tpu.memory_space<semaphore_mem>>) src(%arg8 : memref<80x128xf32, #tpu.memory_space<vmem>>) dst(%dma_wait3A_253 : memref<10240x128xf32, #tpu.memory_space<vmem_shared>>)
      %dma_start3A_254 = arith.constant 0 : i32
      %dma_start3A_255 = tpu.memref_slice %arg3[%add3A_219, %dma_start3A_254] : memref<4000x80xi32, #tpu.memory_space<hbm>> -> memref<1x80xi32, #tpu.memory_space<hbm>>
      %dma_start3A_256 = arith.constant 0 : i32
      %dma_start3A_257 = tpu.memref_slice %arg3[%add3A_219, %dma_start3A_256] : memref<4000x80xi32, #tpu.memory_space<hbm>> -> memref<1x80xi32, #tpu.memory_space<hbm>>
      tpu.enqueue_dma source(%dma_start3A_257 : memref<1x80xi32, #tpu.memory_space<hbm>>) target(%arg6 : memref<1x80xi32, #tpu.memory_space<vmem>>) target_semaphore(%arg14 : memref<!tpu.dma_semaphore, #tpu.memory_space<semaphore_mem>>)
      %dma_start3A_258 = tpu.memref_slice %arg2[%multiple_of3A_233, %multiple_of3A] : memref<320000x512xf32, #tpu.memory_space<hbm>> -> memref<80x128xf32, #tpu.memory_space<hbm>>
      %dma_start3A_259 = tpu.memref_slice %arg2[%multiple_of3A_233, %multiple_of3A] : memref<320000x512xf32, #tpu.memory_space<hbm>> -> memref<80x128xf32, #tpu.memory_space<hbm>>
      tpu.enqueue_dma source(%dma_start3A_259 : memref<80x128xf32, #tpu.memory_space<hbm>>) target(%arg8 : memref<80x128xf32, #tpu.memory_space<vmem>>) target_semaphore(%arg10 : memref<!tpu.dma_semaphore, #tpu.memory_space<semaphore_mem>>)
      %mul3A_260 = arith.constant 2 : i32
      %mul3A_261 = arith.muli %scan3A_207, %mul3A_260 : i32
      %add3A_262 = arith.constant 1 : i32
      %add3A_263 = arith.addi %mul3A_261, %add3A_262 : i32
      %mul3A_264 = arith.constant 250 : i32
      %mul3A_265 = arith.muli %arg1, %mul3A_264 : i32
      %add3A_266 = arith.addi %mul3A_265, %add3A_263 : i32
      %mul3A_267 = arith.constant 250 : i32
      %mul3A_268 = arith.muli %arg1, %mul3A_267 : i32
      %add3A_269 = arith.addi %mul3A_268, %add3A_263 : i32
      %add3A_270 = arith.constant 2 : i32
      %add3A_271 = arith.addi %add3A_269, %add3A_270 : i32
      %mul3A_272 = arith.constant 20000 : i32
      %mul3A_273 = arith.muli %arg1, %mul3A_272 : i32
      %mul3A_274 = arith.constant 80 : i32
      %mul3A_275 = arith.muli %add3A_263, %mul3A_274 : i32
      %add3A_276 = arith.addi %mul3A_273, %mul3A_275 : i32
      %multiple_of3A_277 = tpu.assume_multiple %add3A_276, 80 : i32
      %mul3A_278 = arith.constant 20000 : i32
      %mul3A_279 = arith.muli %arg1, %mul3A_278 : i32
      %add3A_280 = arith.constant 2 : i32
      %add3A_281 = arith.addi %add3A_263, %add3A_280 : i32
      %mul3A_282 = arith.constant 80 : i32
      %mul3A_283 = arith.muli %add3A_281, %mul3A_282 : i32
      %add3A_284 = arith.addi %mul3A_279, %mul3A_283 : i32
      %multiple_of3A_285 = tpu.assume_multiple %add3A_284, 80 : i32
      %dma_wait3A_286 = arith.constant 0 : i32
      %dma_wait3A_287 = tpu.memref_slice %arg3[%add3A_266, %dma_wait3A_286] : memref<4000x80xi32, #tpu.memory_space<hbm>> -> memref<1x80xi32, #tpu.memory_space<hbm>>
      %dma_wait3A_288 = arith.constant 0 : i32
      %dma_wait3A_289 = tpu.memref_slice %arg3[%add3A_266, %dma_wait3A_288] : memref<4000x80xi32, #tpu.memory_space<hbm>> -> memref<1x80xi32, #tpu.memory_space<hbm>>
      tpu.wait_dma2 semaphore(%arg15 : memref<!tpu.dma_semaphore, #tpu.memory_space<semaphore_mem>>) src(%dma_wait3A_289 : memref<1x80xi32, #tpu.memory_space<hbm>>) dst(%arg7 : memref<1x80xi32, #tpu.memory_space<vmem>>)
      %dma_wait3A_290 = tpu.memref_slice %arg2[%multiple_of3A_277, %multiple_of3A] : memref<320000x512xf32, #tpu.memory_space<hbm>> -> memref<80x128xf32, #tpu.memory_space<hbm>>
      %dma_wait3A_291 = tpu.memref_slice %arg2[%multiple_of3A_277, %multiple_of3A] : memref<320000x512xf32, #tpu.memory_space<hbm>> -> memref<80x128xf32, #tpu.memory_space<hbm>>
      tpu.wait_dma2 semaphore(%arg11 : memref<!tpu.dma_semaphore, #tpu.memory_space<semaphore_mem>>) src(%dma_wait3A_291 : memref<80x128xf32, #tpu.memory_space<hbm>>) dst(%arg9 : memref<80x128xf32, #tpu.memory_space<vmem>>)
      %dma_start3A_292 = arith.constant 0 : i32
      %dma_start3A_293 = arith.constant 0 : i32
      %dma_start3A_294 = tpu.memref_slice %arg7[%dma_start3A_292, %dma_start3A_293] : memref<1x80xi32, #tpu.memory_space<vmem>> -> memref<1x80xi32, #tpu.memory_space<vmem>>
      %dma_start3A_295 = tpu.memref_squeeze %dma_start3A_294 : memref<1x80xi32, #tpu.memory_space<vmem>> -> memref<80xi32, #tpu.memory_space<vmem>>
      %dma_start3A_296 = arith.constant 0 : i32
      %dma_start3A_297 = arith.constant 0 : i32
      %dma_start3A_298 = tpu.memref_slice %arg16[%dma_start3A_296, %dma_start3A_297] : memref<10240x128xf32, #tpu.memory_space<vmem_shared>> -> memref<10240x128xf32, #tpu.memory_space<vmem_shared>>
      tpu.enqueue_indirect_dma source(%arg9 : memref<80x128xf32, #tpu.memory_space<vmem>>) target(%dma_start3A_298 : memref<10240x128xf32, #tpu.memory_space<vmem_shared>>) offsets(%dma_start3A_295 : memref<80xi32, #tpu.memory_space<vmem>>) semaphore(%arg13 : memref<!tpu.dma_semaphore, #tpu.memory_space<semaphore_mem>>) {add = true}
      %dma_wait3A_299 = arith.constant 0 : i32
      %dma_wait3A_300 = arith.constant 0 : i32
      %dma_wait3A_301 = tpu.memref_slice %arg7[%dma_wait3A_299, %dma_wait3A_300] : memref<1x80xi32, #tpu.memory_space<vmem>> -> memref<1x80xi32, #tpu.memory_space<vmem>>
      %dma_wait3A_302 = tpu.memref_squeeze %dma_wait3A_301 : memref<1x80xi32, #tpu.memory_space<vmem>> -> memref<80xi32, #tpu.memory_space<vmem>>
      %dma_wait3A_303 = arith.constant 0 : i32
      %dma_wait3A_304 = arith.constant 0 : i32
      %dma_wait3A_305 = tpu.memref_slice %arg16[%dma_wait3A_303, %dma_wait3A_304] : memref<10240x128xf32, #tpu.memory_space<vmem_shared>> -> memref<10240x128xf32, #tpu.memory_space<vmem_shared>>
      tpu.wait_indirect_dma semaphore(%arg13 : memref<!tpu.dma_semaphore, #tpu.memory_space<semaphore_mem>>) src(%arg9 : memref<80x128xf32, #tpu.memory_space<vmem>>) dst(%dma_wait3A_305 : memref<10240x128xf32, #tpu.memory_space<vmem_shared>>)
      %dma_start3A_306 = arith.constant 0 : i32
      %dma_start3A_307 = tpu.memref_slice %arg3[%add3A_271, %dma_start3A_306] : memref<4000x80xi32, #tpu.memory_space<hbm>> -> memref<1x80xi32, #tpu.memory_space<hbm>>
      %dma_start3A_308 = arith.constant 0 : i32
      %dma_start3A_309 = tpu.memref_slice %arg3[%add3A_271, %dma_start3A_308] : memref<4000x80xi32, #tpu.memory_space<hbm>> -> memref<1x80xi32, #tpu.memory_space<hbm>>
      tpu.enqueue_dma source(%dma_start3A_309 : memref<1x80xi32, #tpu.memory_space<hbm>>) target(%arg7 : memref<1x80xi32, #tpu.memory_space<vmem>>) target_semaphore(%arg15 : memref<!tpu.dma_semaphore, #tpu.memory_space<semaphore_mem>>)
      %dma_start3A_310 = tpu.memref_slice %arg2[%multiple_of3A_285, %multiple_of3A] : memref<320000x512xf32, #tpu.memory_space<hbm>> -> memref<80x128xf32, #tpu.memory_space<hbm>>
      %dma_start3A_311 = tpu.memref_slice %arg2[%multiple_of3A_285, %multiple_of3A] : memref<320000x512xf32, #tpu.memory_space<hbm>> -> memref<80x128xf32, #tpu.memory_space<hbm>>
      tpu.enqueue_dma source(%dma_start3A_311 : memref<80x128xf32, #tpu.memory_space<hbm>>) target(%arg9 : memref<80x128xf32, #tpu.memory_space<vmem>>) target_semaphore(%arg11 : memref<!tpu.dma_semaphore, #tpu.memory_space<semaphore_mem>>)
    }
    %scan3A_40 = arith.constant 124 : i32
    %mul3A_41 = arith.constant 250 : i32
    %mul3A_42 = arith.muli %arg1, %mul3A_41 : i32
    %add3A_43 = arith.constant 248 : i32
    %add3A_44 = arith.addi %mul3A_42, %add3A_43 : i32
    %mul3A_45 = arith.constant 20000 : i32
    %mul3A_46 = arith.muli %arg1, %mul3A_45 : i32
    %add3A_47 = arith.constant 19840 : i32
    %add3A_48 = arith.addi %mul3A_46, %add3A_47 : i32
    %multiple_of3A_49 = tpu.assume_multiple %add3A_48, 80 : i32
    %dma_wait3A = arith.constant 0 : i32
    %dma_wait3A_50 = tpu.memref_slice %arg3[%add3A_44, %dma_wait3A] : memref<4000x80xi32, #tpu.memory_space<hbm>> -> memref<1x80xi32, #tpu.memory_space<hbm>>
    %dma_wait3A_51 = arith.constant 0 : i32
    %dma_wait3A_52 = tpu.memref_slice %arg3[%add3A_44, %dma_wait3A_51] : memref<4000x80xi32, #tpu.memory_space<hbm>> -> memref<1x80xi32, #tpu.memory_space<hbm>>
    tpu.wait_dma2 semaphore(%arg14 : memref<!tpu.dma_semaphore, #tpu.memory_space<semaphore_mem>>) src(%dma_wait3A_52 : memref<1x80xi32, #tpu.memory_space<hbm>>) dst(%arg6 : memref<1x80xi32, #tpu.memory_space<vmem>>)
    %dma_wait3A_53 = tpu.memref_slice %arg2[%multiple_of3A_49, %multiple_of3A] : memref<320000x512xf32, #tpu.memory_space<hbm>> -> memref<80x128xf32, #tpu.memory_space<hbm>>
    %dma_wait3A_54 = tpu.memref_slice %arg2[%multiple_of3A_49, %multiple_of3A] : memref<320000x512xf32, #tpu.memory_space<hbm>> -> memref<80x128xf32, #tpu.memory_space<hbm>>
    tpu.wait_dma2 semaphore(%arg10 : memref<!tpu.dma_semaphore, #tpu.memory_space<semaphore_mem>>) src(%dma_wait3A_54 : memref<80x128xf32, #tpu.memory_space<hbm>>) dst(%arg8 : memref<80x128xf32, #tpu.memory_space<vmem>>)
    %dma_start3A_55 = arith.constant 0 : i32
    %dma_start3A_56 = arith.constant 0 : i32
    %dma_start3A_57 = tpu.memref_slice %arg6[%dma_start3A_55, %dma_start3A_56] : memref<1x80xi32, #tpu.memory_space<vmem>> -> memref<1x80xi32, #tpu.memory_space<vmem>>
    %dma_start3A_58 = tpu.memref_squeeze %dma_start3A_57 : memref<1x80xi32, #tpu.memory_space<vmem>> -> memref<80xi32, #tpu.memory_space<vmem>>
    %dma_start3A_59 = arith.constant 0 : i32
    %dma_start3A_60 = arith.constant 0 : i32
    %dma_start3A_61 = tpu.memref_slice %arg16[%dma_start3A_59, %dma_start3A_60] : memref<10240x128xf32, #tpu.memory_space<vmem_shared>> -> memref<10240x128xf32, #tpu.memory_space<vmem_shared>>
    tpu.enqueue_indirect_dma source(%arg8 : memref<80x128xf32, #tpu.memory_space<vmem>>) target(%dma_start3A_61 : memref<10240x128xf32, #tpu.memory_space<vmem_shared>>) offsets(%dma_start3A_58 : memref<80xi32, #tpu.memory_space<vmem>>) semaphore(%arg12 : memref<!tpu.dma_semaphore, #tpu.memory_space<semaphore_mem>>) {add = true}
    %mul3A_62 = arith.constant 250 : i32
    %mul3A_63 = arith.muli %arg1, %mul3A_62 : i32
    %add3A_64 = arith.constant 249 : i32
    %add3A_65 = arith.addi %mul3A_63, %add3A_64 : i32
    %mul3A_66 = arith.constant 20000 : i32
    %mul3A_67 = arith.muli %arg1, %mul3A_66 : i32
    %add3A_68 = arith.constant 19920 : i32
    %add3A_69 = arith.addi %mul3A_67, %add3A_68 : i32
    %multiple_of3A_70 = tpu.assume_multiple %add3A_69, 80 : i32
    %dma_wait3A_71 = arith.constant 0 : i32
    %dma_wait3A_72 = tpu.memref_slice %arg3[%add3A_65, %dma_wait3A_71] : memref<4000x80xi32, #tpu.memory_space<hbm>> -> memref<1x80xi32, #tpu.memory_space<hbm>>
    %dma_wait3A_73 = arith.constant 0 : i32
    %dma_wait3A_74 = tpu.memref_slice %arg3[%add3A_65, %dma_wait3A_73] : memref<4000x80xi32, #tpu.memory_space<hbm>> -> memref<1x80xi32, #tpu.memory_space<hbm>>
    tpu.wait_dma2 semaphore(%arg15 : memref<!tpu.dma_semaphore, #tpu.memory_space<semaphore_mem>>) src(%dma_wait3A_74 : memref<1x80xi32, #tpu.memory_space<hbm>>) dst(%arg7 : memref<1x80xi32, #tpu.memory_space<vmem>>)
    %dma_wait3A_75 = tpu.memref_slice %arg2[%multiple_of3A_70, %multiple_of3A] : memref<320000x512xf32, #tpu.memory_space<hbm>> -> memref<80x128xf32, #tpu.memory_space<hbm>>
    %dma_wait3A_76 = tpu.memref_slice %arg2[%multiple_of3A_70, %multiple_of3A] : memref<320000x512xf32, #tpu.memory_space<hbm>> -> memref<80x128xf32, #tpu.memory_space<hbm>>
    tpu.wait_dma2 semaphore(%arg11 : memref<!tpu.dma_semaphore, #tpu.memory_space<semaphore_mem>>) src(%dma_wait3A_76 : memref<80x128xf32, #tpu.memory_space<hbm>>) dst(%arg9 : memref<80x128xf32, #tpu.memory_space<vmem>>)
    %dma_start3A_77 = arith.constant 0 : i32
    %dma_start3A_78 = arith.constant 0 : i32
    %dma_start3A_79 = tpu.memref_slice %arg7[%dma_start3A_77, %dma_start3A_78] : memref<1x80xi32, #tpu.memory_space<vmem>> -> memref<1x80xi32, #tpu.memory_space<vmem>>
    %dma_start3A_80 = tpu.memref_squeeze %dma_start3A_79 : memref<1x80xi32, #tpu.memory_space<vmem>> -> memref<80xi32, #tpu.memory_space<vmem>>
    %dma_start3A_81 = arith.constant 0 : i32
    %dma_start3A_82 = arith.constant 0 : i32
    %dma_start3A_83 = tpu.memref_slice %arg16[%dma_start3A_81, %dma_start3A_82] : memref<10240x128xf32, #tpu.memory_space<vmem_shared>> -> memref<10240x128xf32, #tpu.memory_space<vmem_shared>>
    tpu.enqueue_indirect_dma source(%arg9 : memref<80x128xf32, #tpu.memory_space<vmem>>) target(%dma_start3A_83 : memref<10240x128xf32, #tpu.memory_space<vmem_shared>>) offsets(%dma_start3A_80 : memref<80xi32, #tpu.memory_space<vmem>>) semaphore(%arg13 : memref<!tpu.dma_semaphore, #tpu.memory_space<semaphore_mem>>) {add = true}
    %dma_wait3A_84 = arith.constant 0 : i32
    %dma_wait3A_85 = arith.constant 0 : i32
    %dma_wait3A_86 = tpu.memref_slice %arg6[%dma_wait3A_84, %dma_wait3A_85] : memref<1x80xi32, #tpu.memory_space<vmem>> -> memref<1x80xi32, #tpu.memory_space<vmem>>
    %dma_wait3A_87 = tpu.memref_squeeze %dma_wait3A_86 : memref<1x80xi32, #tpu.memory_space<vmem>> -> memref<80xi32, #tpu.memory_space<vmem>>
    %dma_wait3A_88 = arith.constant 0 : i32
    %dma_wait3A_89 = arith.constant 0 : i32
    %dma_wait3A_90 = tpu.memref_slice %arg16[%dma_wait3A_88, %dma_wait3A_89] : memref<10240x128xf32, #tpu.memory_space<vmem_shared>> -> memref<10240x128xf32, #tpu.memory_space<vmem_shared>>
    tpu.wait_indirect_dma semaphore(%arg12 : memref<!tpu.dma_semaphore, #tpu.memory_space<semaphore_mem>>) src(%arg8 : memref<80x128xf32, #tpu.memory_space<vmem>>) dst(%dma_wait3A_90 : memref<10240x128xf32, #tpu.memory_space<vmem_shared>>)
    %dma_wait3A_91 = arith.constant 0 : i32
    %dma_wait3A_92 = arith.constant 0 : i32
    %dma_wait3A_93 = tpu.memref_slice %arg7[%dma_wait3A_91, %dma_wait3A_92] : memref<1x80xi32, #tpu.memory_space<vmem>> -> memref<1x80xi32, #tpu.memory_space<vmem>>
    %dma_wait3A_94 = tpu.memref_squeeze %dma_wait3A_93 : memref<1x80xi32, #tpu.memory_space<vmem>> -> memref<80xi32, #tpu.memory_space<vmem>>
    %dma_wait3A_95 = arith.constant 0 : i32
    %dma_wait3A_96 = arith.constant 0 : i32
    %dma_wait3A_97 = tpu.memref_slice %arg16[%dma_wait3A_95, %dma_wait3A_96] : memref<10240x128xf32, #tpu.memory_space<vmem_shared>> -> memref<10240x128xf32, #tpu.memory_space<vmem_shared>>
    tpu.wait_indirect_dma semaphore(%arg13 : memref<!tpu.dma_semaphore, #tpu.memory_space<semaphore_mem>>) src(%arg9 : memref<80x128xf32, #tpu.memory_space<vmem>>) dst(%dma_wait3A_97 : memref<10240x128xf32, #tpu.memory_space<vmem_shared>>)
    %barrier3A_98 = arith.constant 0 : index
    tpu.barrier barrier_id(%barrier3A_98)
    "tpu.region"() ({
      %run_scoped3A = tpu.sem_alloc : memref<!tpu.dma_semaphore, #tpu.memory_space<semaphore_mem>>
      %dma_start3A_207 = tpu.memref_slice %arg5[%multiple_of3A_6, %multiple_of3A] : memref<10240x512xf32, #tpu.memory_space<hbm>> -> memref<640x128xf32, #tpu.memory_space<hbm>>
      %dma_start3A_208 = arith.constant 0 : i32
      %dma_start3A_209 = tpu.memref_slice %arg16[%multiple_of3A_6, %dma_start3A_208] : memref<10240x128xf32, #tpu.memory_space<vmem_shared>> -> memref<640x128xf32, #tpu.memory_space<vmem_shared>>
      tpu.enqueue_dma source(%dma_start3A_209 : memref<640x128xf32, #tpu.memory_space<vmem_shared>>) target(%dma_start3A_207 : memref<640x128xf32, #tpu.memory_space<hbm>>) target_semaphore(%run_scoped3A : memref<!tpu.dma_semaphore, #tpu.memory_space<semaphore_mem>>)
      %dma_wait3A_210 = tpu.memref_slice %arg5[%multiple_of3A_6, %multiple_of3A] : memref<10240x512xf32, #tpu.memory_space<hbm>> -> memref<640x128xf32, #tpu.memory_space<hbm>>
      %dma_wait3A_211 = arith.constant 0 : i32
      %dma_wait3A_212 = tpu.memref_slice %arg16[%multiple_of3A_6, %dma_wait3A_211] : memref<10240x128xf32, #tpu.memory_space<vmem_shared>> -> memref<640x128xf32, #tpu.memory_space<vmem_shared>>
      tpu.wait_dma2 semaphore(%run_scoped3A : memref<!tpu.dma_semaphore, #tpu.memory_space<semaphore_mem>>) src(%dma_wait3A_212 : memref<640x128xf32, #tpu.memory_space<vmem_shared>>) dst(%dma_wait3A_210 : memref<640x128xf32, #tpu.memory_space<hbm>>)
      tpu.yield
    }) : () -> ()
    %barrier3A_99 = arith.constant 0 : index
    tpu.barrier barrier_id(%barrier3A_99)
    %mul3A_100 = arith.constant 2 : i32
    %mul3A_101 = arith.muli %arg0, %mul3A_100 : i32
    %add3A_102 = arith.constant 1 : i32
    %add3A_103 = arith.addi %mul3A_101, %add3A_102 : i32
    %mul3A_104 = arith.constant 128 : i32
    %mul3A_105 = arith.muli %add3A_103, %mul3A_104 : i32
    %multiple_of3A_106 = tpu.assume_multiple %mul3A_105, 128 : i32
    %mul3A_107 = arith.constant 640 : i32
    %mul3A_108 = arith.muli %arg1, %mul3A_107 : i32
    %multiple_of3A_109 = tpu.assume_multiple %mul3A_108, 640 : i32
    "tpu.region"() ({
      %run_scoped3A = tpu.sem_alloc : memref<!tpu.dma_semaphore, #tpu.memory_space<semaphore_mem>>
      %dma_start3A_207 = arith.constant 0 : i32
      %dma_start3A_208 = tpu.memref_slice %arg16[%multiple_of3A_109, %dma_start3A_207] : memref<10240x128xf32, #tpu.memory_space<vmem_shared>> -> memref<640x128xf32, #tpu.memory_space<vmem_shared>>
      %dma_start3A_209 = arith.constant 0 : i32
      %dma_start3A_210 = tpu.memref_slice %arg4[%multiple_of3A_109, %dma_start3A_209] : memref<10240x128xf32, #tpu.memory_space<hbm>> -> memref<640x128xf32, #tpu.memory_space<hbm>>
      tpu.enqueue_dma source(%dma_start3A_210 : memref<640x128xf32, #tpu.memory_space<hbm>>) target(%dma_start3A_208 : memref<640x128xf32, #tpu.memory_space<vmem_shared>>) target_semaphore(%run_scoped3A : memref<!tpu.dma_semaphore, #tpu.memory_space<semaphore_mem>>)
      %dma_wait3A_211 = arith.constant 0 : i32
      %dma_wait3A_212 = tpu.memref_slice %arg16[%multiple_of3A_109, %dma_wait3A_211] : memref<10240x128xf32, #tpu.memory_space<vmem_shared>> -> memref<640x128xf32, #tpu.memory_space<vmem_shared>>
      %dma_wait3A_213 = arith.constant 0 : i32
      %dma_wait3A_214 = tpu.memref_slice %arg4[%multiple_of3A_109, %dma_wait3A_213] : memref<10240x128xf32, #tpu.memory_space<hbm>> -> memref<640x128xf32, #tpu.memory_space<hbm>>
      tpu.wait_dma2 semaphore(%run_scoped3A : memref<!tpu.dma_semaphore, #tpu.memory_space<semaphore_mem>>) src(%dma_wait3A_214 : memref<640x128xf32, #tpu.memory_space<hbm>>) dst(%dma_wait3A_212 : memref<640x128xf32, #tpu.memory_space<vmem_shared>>)
      tpu.yield
    }) : () -> ()
    %barrier3A_110 = arith.constant 0 : index
    tpu.barrier barrier_id(%barrier3A_110)
    %mul3A_111 = arith.constant 250 : i32
    %mul3A_112 = arith.muli %arg1, %mul3A_111 : i32
    %add3A_113 = arith.constant 0 : i32
    %add3A_114 = arith.addi %mul3A_112, %add3A_113 : i32
    %mul3A_115 = arith.constant 20000 : i32
    %mul3A_116 = arith.muli %arg1, %mul3A_115 : i32
    %add3A_117 = arith.constant 0 : i32
    %add3A_118 = arith.addi %mul3A_116, %add3A_117 : i32
    %multiple_of3A_119 = tpu.assume_multiple %add3A_118, 80 : i32
    %dma_start3A_120 = arith.constant 0 : i32
    %dma_start3A_121 = tpu.memref_slice %arg3[%add3A_114, %dma_start3A_120] : memref<4000x80xi32, #tpu.memory_space<hbm>> -> memref<1x80xi32, #tpu.memory_space<hbm>>
    %dma_start3A_122 = arith.constant 0 : i32
    %dma_start3A_123 = tpu.memref_slice %arg3[%add3A_114, %dma_start3A_122] : memref<4000x80xi32, #tpu.memory_space<hbm>> -> memref<1x80xi32, #tpu.memory_space<hbm>>
    tpu.enqueue_dma source(%dma_start3A_123 : memref<1x80xi32, #tpu.memory_space<hbm>>) target(%arg6 : memref<1x80xi32, #tpu.memory_space<vmem>>) target_semaphore(%arg14 : memref<!tpu.dma_semaphore, #tpu.memory_space<semaphore_mem>>)
    %dma_start3A_124 = tpu.memref_slice %arg2[%multiple_of3A_119, %multiple_of3A_106] : memref<320000x512xf32, #tpu.memory_space<hbm>> -> memref<80x128xf32, #tpu.memory_space<hbm>>
    %dma_start3A_125 = tpu.memref_slice %arg2[%multiple_of3A_119, %multiple_of3A_106] : memref<320000x512xf32, #tpu.memory_space<hbm>> -> memref<80x128xf32, #tpu.memory_space<hbm>>
    tpu.enqueue_dma source(%dma_start3A_125 : memref<80x128xf32, #tpu.memory_space<hbm>>) target(%arg8 : memref<80x128xf32, #tpu.memory_space<vmem>>) target_semaphore(%arg10 : memref<!tpu.dma_semaphore, #tpu.memory_space<semaphore_mem>>)
    %mul3A_126 = arith.constant 250 : i32
    %mul3A_127 = arith.muli %arg1, %mul3A_126 : i32
    %add3A_128 = arith.constant 1 : i32
    %add3A_129 = arith.addi %mul3A_127, %add3A_128 : i32
    %mul3A_130 = arith.constant 20000 : i32
    %mul3A_131 = arith.muli %arg1, %mul3A_130 : i32
    %add3A_132 = arith.constant 80 : i32
    %add3A_133 = arith.addi %mul3A_131, %add3A_132 : i32
    %multiple_of3A_134 = tpu.assume_multiple %add3A_133, 80 : i32
    %dma_start3A_135 = arith.constant 0 : i32
    %dma_start3A_136 = tpu.memref_slice %arg3[%add3A_129, %dma_start3A_135] : memref<4000x80xi32, #tpu.memory_space<hbm>> -> memref<1x80xi32, #tpu.memory_space<hbm>>
    %dma_start3A_137 = arith.constant 0 : i32
    %dma_start3A_138 = tpu.memref_slice %arg3[%add3A_129, %dma_start3A_137] : memref<4000x80xi32, #tpu.memory_space<hbm>> -> memref<1x80xi32, #tpu.memory_space<hbm>>
    tpu.enqueue_dma source(%dma_start3A_138 : memref<1x80xi32, #tpu.memory_space<hbm>>) target(%arg7 : memref<1x80xi32, #tpu.memory_space<vmem>>) target_semaphore(%arg15 : memref<!tpu.dma_semaphore, #tpu.memory_space<semaphore_mem>>)
    %dma_start3A_139 = tpu.memref_slice %arg2[%multiple_of3A_134, %multiple_of3A_106] : memref<320000x512xf32, #tpu.memory_space<hbm>> -> memref<80x128xf32, #tpu.memory_space<hbm>>
    %dma_start3A_140 = tpu.memref_slice %arg2[%multiple_of3A_134, %multiple_of3A_106] : memref<320000x512xf32, #tpu.memory_space<hbm>> -> memref<80x128xf32, #tpu.memory_space<hbm>>
    tpu.enqueue_dma source(%dma_start3A_140 : memref<80x128xf32, #tpu.memory_space<hbm>>) target(%arg9 : memref<80x128xf32, #tpu.memory_space<vmem>>) target_semaphore(%arg11 : memref<!tpu.dma_semaphore, #tpu.memory_space<semaphore_mem>>)
    %scan3A_141 = arith.constant 0 : i32
    %scan3A_142 = arith.constant 0 : i32
    %scan3A_143 = arith.constant 124 : i32
    %scan3A_144 = arith.addi %scan3A_142, %scan3A_143 : i32
    %scan3A_145 = arith.constant 1 : i32
    scf.for %scan3A_207 = %scan3A_142 to %scan3A_144 step %scan3A_145  : i32 {
      %mul3A_208 = arith.constant 2 : i32
      %mul3A_209 = arith.muli %scan3A_207, %mul3A_208 : i32
      %add3A_210 = arith.constant 0 : i32
      %add3A_211 = arith.addi %mul3A_209, %add3A_210 : i32
      %mul3A_212 = arith.constant 250 : i32
      %mul3A_213 = arith.muli %arg1, %mul3A_212 : i32
      %add3A_214 = arith.addi %mul3A_213, %add3A_211 : i32
      %mul3A_215 = arith.constant 250 : i32
      %mul3A_216 = arith.muli %arg1, %mul3A_215 : i32
      %add3A_217 = arith.addi %mul3A_216, %add3A_211 : i32
      %add3A_218 = arith.constant 2 : i32
      %add3A_219 = arith.addi %add3A_217, %add3A_218 : i32
      %mul3A_220 = arith.constant 20000 : i32
      %mul3A_221 = arith.muli %arg1, %mul3A_220 : i32
      %mul3A_222 = arith.constant 80 : i32
      %mul3A_223 = arith.muli %add3A_211, %mul3A_222 : i32
      %add3A_224 = arith.addi %mul3A_221, %mul3A_223 : i32
      %multiple_of3A_225 = tpu.assume_multiple %add3A_224, 80 : i32
      %mul3A_226 = arith.constant 20000 : i32
      %mul3A_227 = arith.muli %arg1, %mul3A_226 : i32
      %add3A_228 = arith.constant 2 : i32
      %add3A_229 = arith.addi %add3A_211, %add3A_228 : i32
      %mul3A_230 = arith.constant 80 : i32
      %mul3A_231 = arith.muli %add3A_229, %mul3A_230 : i32
      %add3A_232 = arith.addi %mul3A_227, %mul3A_231 : i32
      %multiple_of3A_233 = tpu.assume_multiple %add3A_232, 80 : i32
      %dma_wait3A_234 = arith.constant 0 : i32
      %dma_wait3A_235 = tpu.memref_slice %arg3[%add3A_214, %dma_wait3A_234] : memref<4000x80xi32, #tpu.memory_space<hbm>> -> memref<1x80xi32, #tpu.memory_space<hbm>>
      %dma_wait3A_236 = arith.constant 0 : i32
      %dma_wait3A_237 = tpu.memref_slice %arg3[%add3A_214, %dma_wait3A_236] : memref<4000x80xi32, #tpu.memory_space<hbm>> -> memref<1x80xi32, #tpu.memory_space<hbm>>
      tpu.wait_dma2 semaphore(%arg14 : memref<!tpu.dma_semaphore, #tpu.memory_space<semaphore_mem>>) src(%dma_wait3A_237 : memref<1x80xi32, #tpu.memory_space<hbm>>) dst(%arg6 : memref<1x80xi32, #tpu.memory_space<vmem>>)
      %dma_wait3A_238 = tpu.memref_slice %arg2[%multiple_of3A_225, %multiple_of3A_106] : memref<320000x512xf32, #tpu.memory_space<hbm>> -> memref<80x128xf32, #tpu.memory_space<hbm>>
      %dma_wait3A_239 = tpu.memref_slice %arg2[%multiple_of3A_225, %multiple_of3A_106] : memref<320000x512xf32, #tpu.memory_space<hbm>> -> memref<80x128xf32, #tpu.memory_space<hbm>>
      tpu.wait_dma2 semaphore(%arg10 : memref<!tpu.dma_semaphore, #tpu.memory_space<semaphore_mem>>) src(%dma_wait3A_239 : memref<80x128xf32, #tpu.memory_space<hbm>>) dst(%arg8 : memref<80x128xf32, #tpu.memory_space<vmem>>)
      %dma_start3A_240 = arith.constant 0 : i32
      %dma_start3A_241 = arith.constant 0 : i32
      %dma_start3A_242 = tpu.memref_slice %arg6[%dma_start3A_240, %dma_start3A_241] : memref<1x80xi32, #tpu.memory_space<vmem>> -> memref<1x80xi32, #tpu.memory_space<vmem>>
      %dma_start3A_243 = tpu.memref_squeeze %dma_start3A_242 : memref<1x80xi32, #tpu.memory_space<vmem>> -> memref<80xi32, #tpu.memory_space<vmem>>
      %dma_start3A_244 = arith.constant 0 : i32
      %dma_start3A_245 = arith.constant 0 : i32
      %dma_start3A_246 = tpu.memref_slice %arg16[%dma_start3A_244, %dma_start3A_245] : memref<10240x128xf32, #tpu.memory_space<vmem_shared>> -> memref<10240x128xf32, #tpu.memory_space<vmem_shared>>
      tpu.enqueue_indirect_dma source(%arg8 : memref<80x128xf32, #tpu.memory_space<vmem>>) target(%dma_start3A_246 : memref<10240x128xf32, #tpu.memory_space<vmem_shared>>) offsets(%dma_start3A_243 : memref<80xi32, #tpu.memory_space<vmem>>) semaphore(%arg12 : memref<!tpu.dma_semaphore, #tpu.memory_space<semaphore_mem>>) {add = true}
      %dma_wait3A_247 = arith.constant 0 : i32
      %dma_wait3A_248 = arith.constant 0 : i32
      %dma_wait3A_249 = tpu.memref_slice %arg6[%dma_wait3A_247, %dma_wait3A_248] : memref<1x80xi32, #tpu.memory_space<vmem>> -> memref<1x80xi32, #tpu.memory_space<vmem>>
      %dma_wait3A_250 = tpu.memref_squeeze %dma_wait3A_249 : memref<1x80xi32, #tpu.memory_space<vmem>> -> memref<80xi32, #tpu.memory_space<vmem>>
      %dma_wait3A_251 = arith.constant 0 : i32
      %dma_wait3A_252 = arith.constant 0 : i32
      %dma_wait3A_253 = tpu.memref_slice %arg16[%dma_wait3A_251, %dma_wait3A_252] : memref<10240x128xf32, #tpu.memory_space<vmem_shared>> -> memref<10240x128xf32, #tpu.memory_space<vmem_shared>>
      tpu.wait_indirect_dma semaphore(%arg12 : memref<!tpu.dma_semaphore, #tpu.memory_space<semaphore_mem>>) src(%arg8 : memref<80x128xf32, #tpu.memory_space<vmem>>) dst(%dma_wait3A_253 : memref<10240x128xf32, #tpu.memory_space<vmem_shared>>)
      %dma_start3A_254 = arith.constant 0 : i32
      %dma_start3A_255 = tpu.memref_slice %arg3[%add3A_219, %dma_start3A_254] : memref<4000x80xi32, #tpu.memory_space<hbm>> -> memref<1x80xi32, #tpu.memory_space<hbm>>
      %dma_start3A_256 = arith.constant 0 : i32
      %dma_start3A_257 = tpu.memref_slice %arg3[%add3A_219, %dma_start3A_256] : memref<4000x80xi32, #tpu.memory_space<hbm>> -> memref<1x80xi32, #tpu.memory_space<hbm>>
      tpu.enqueue_dma source(%dma_start3A_257 : memref<1x80xi32, #tpu.memory_space<hbm>>) target(%arg6 : memref<1x80xi32, #tpu.memory_space<vmem>>) target_semaphore(%arg14 : memref<!tpu.dma_semaphore, #tpu.memory_space<semaphore_mem>>)
      %dma_start3A_258 = tpu.memref_slice %arg2[%multiple_of3A_233, %multiple_of3A_106] : memref<320000x512xf32, #tpu.memory_space<hbm>> -> memref<80x128xf32, #tpu.memory_space<hbm>>
      %dma_start3A_259 = tpu.memref_slice %arg2[%multiple_of3A_233, %multiple_of3A_106] : memref<320000x512xf32, #tpu.memory_space<hbm>> -> memref<80x128xf32, #tpu.memory_space<hbm>>
      tpu.enqueue_dma source(%dma_start3A_259 : memref<80x128xf32, #tpu.memory_space<hbm>>) target(%arg8 : memref<80x128xf32, #tpu.memory_space<vmem>>) target_semaphore(%arg10 : memref<!tpu.dma_semaphore, #tpu.memory_space<semaphore_mem>>)
      %mul3A_260 = arith.constant 2 : i32
      %mul3A_261 = arith.muli %scan3A_207, %mul3A_260 : i32
      %add3A_262 = arith.constant 1 : i32
      %add3A_263 = arith.addi %mul3A_261, %add3A_262 : i32
      %mul3A_264 = arith.constant 250 : i32
      %mul3A_265 = arith.muli %arg1, %mul3A_264 : i32
      %add3A_266 = arith.addi %mul3A_265, %add3A_263 : i32
      %mul3A_267 = arith.constant 250 : i32
      %mul3A_268 = arith.muli %arg1, %mul3A_267 : i32
      %add3A_269 = arith.addi %mul3A_268, %add3A_263 : i32
      %add3A_270 = arith.constant 2 : i32
      %add3A_271 = arith.addi %add3A_269, %add3A_270 : i32
      %mul3A_272 = arith.constant 20000 : i32
      %mul3A_273 = arith.muli %arg1, %mul3A_272 : i32
      %mul3A_274 = arith.constant 80 : i32
      %mul3A_275 = arith.muli %add3A_263, %mul3A_274 : i32
      %add3A_276 = arith.addi %mul3A_273, %mul3A_275 : i32
      %multiple_of3A_277 = tpu.assume_multiple %add3A_276, 80 : i32
      %mul3A_278 = arith.constant 20000 : i32
      %mul3A_279 = arith.muli %arg1, %mul3A_278 : i32
      %add3A_280 = arith.constant 2 : i32
      %add3A_281 = arith.addi %add3A_263, %add3A_280 : i32
      %mul3A_282 = arith.constant 80 : i32
      %mul3A_283 = arith.muli %add3A_281, %mul3A_282 : i32
      %add3A_284 = arith.addi %mul3A_279, %mul3A_283 : i32
      %multiple_of3A_285 = tpu.assume_multiple %add3A_284, 80 : i32
      %dma_wait3A_286 = arith.constant 0 : i32
      %dma_wait3A_287 = tpu.memref_slice %arg3[%add3A_266, %dma_wait3A_286] : memref<4000x80xi32, #tpu.memory_space<hbm>> -> memref<1x80xi32, #tpu.memory_space<hbm>>
      %dma_wait3A_288 = arith.constant 0 : i32
      %dma_wait3A_289 = tpu.memref_slice %arg3[%add3A_266, %dma_wait3A_288] : memref<4000x80xi32, #tpu.memory_space<hbm>> -> memref<1x80xi32, #tpu.memory_space<hbm>>
      tpu.wait_dma2 semaphore(%arg15 : memref<!tpu.dma_semaphore, #tpu.memory_space<semaphore_mem>>) src(%dma_wait3A_289 : memref<1x80xi32, #tpu.memory_space<hbm>>) dst(%arg7 : memref<1x80xi32, #tpu.memory_space<vmem>>)
      %dma_wait3A_290 = tpu.memref_slice %arg2[%multiple_of3A_277, %multiple_of3A_106] : memref<320000x512xf32, #tpu.memory_space<hbm>> -> memref<80x128xf32, #tpu.memory_space<hbm>>
      %dma_wait3A_291 = tpu.memref_slice %arg2[%multiple_of3A_277, %multiple_of3A_106] : memref<320000x512xf32, #tpu.memory_space<hbm>> -> memref<80x128xf32, #tpu.memory_space<hbm>>
      tpu.wait_dma2 semaphore(%arg11 : memref<!tpu.dma_semaphore, #tpu.memory_space<semaphore_mem>>) src(%dma_wait3A_291 : memref<80x128xf32, #tpu.memory_space<hbm>>) dst(%arg9 : memref<80x128xf32, #tpu.memory_space<vmem>>)
      %dma_start3A_292 = arith.constant 0 : i32
      %dma_start3A_293 = arith.constant 0 : i32
      %dma_start3A_294 = tpu.memref_slice %arg7[%dma_start3A_292, %dma_start3A_293] : memref<1x80xi32, #tpu.memory_space<vmem>> -> memref<1x80xi32, #tpu.memory_space<vmem>>
      %dma_start3A_295 = tpu.memref_squeeze %dma_start3A_294 : memref<1x80xi32, #tpu.memory_space<vmem>> -> memref<80xi32, #tpu.memory_space<vmem>>
      %dma_start3A_296 = arith.constant 0 : i32
      %dma_start3A_297 = arith.constant 0 : i32
      %dma_start3A_298 = tpu.memref_slice %arg16[%dma_start3A_296, %dma_start3A_297] : memref<10240x128xf32, #tpu.memory_space<vmem_shared>> -> memref<10240x128xf32, #tpu.memory_space<vmem_shared>>
      tpu.enqueue_indirect_dma source(%arg9 : memref<80x128xf32, #tpu.memory_space<vmem>>) target(%dma_start3A_298 : memref<10240x128xf32, #tpu.memory_space<vmem_shared>>) offsets(%dma_start3A_295 : memref<80xi32, #tpu.memory_space<vmem>>) semaphore(%arg13 : memref<!tpu.dma_semaphore, #tpu.memory_space<semaphore_mem>>) {add = true}
      %dma_wait3A_299 = arith.constant 0 : i32
      %dma_wait3A_300 = arith.constant 0 : i32
      %dma_wait3A_301 = tpu.memref_slice %arg7[%dma_wait3A_299, %dma_wait3A_300] : memref<1x80xi32, #tpu.memory_space<vmem>> -> memref<1x80xi32, #tpu.memory_space<vmem>>
      %dma_wait3A_302 = tpu.memref_squeeze %dma_wait3A_301 : memref<1x80xi32, #tpu.memory_space<vmem>> -> memref<80xi32, #tpu.memory_space<vmem>>
      %dma_wait3A_303 = arith.constant 0 : i32
      %dma_wait3A_304 = arith.constant 0 : i32
      %dma_wait3A_305 = tpu.memref_slice %arg16[%dma_wait3A_303, %dma_wait3A_304] : memref<10240x128xf32, #tpu.memory_space<vmem_shared>> -> memref<10240x128xf32, #tpu.memory_space<vmem_shared>>
      tpu.wait_indirect_dma semaphore(%arg13 : memref<!tpu.dma_semaphore, #tpu.memory_space<semaphore_mem>>) src(%arg9 : memref<80x128xf32, #tpu.memory_space<vmem>>) dst(%dma_wait3A_305 : memref<10240x128xf32, #tpu.memory_space<vmem_shared>>)
      %dma_start3A_306 = arith.constant 0 : i32
      %dma_start3A_307 = tpu.memref_slice %arg3[%add3A_271, %dma_start3A_306] : memref<4000x80xi32, #tpu.memory_space<hbm>> -> memref<1x80xi32, #tpu.memory_space<hbm>>
      %dma_start3A_308 = arith.constant 0 : i32
      %dma_start3A_309 = tpu.memref_slice %arg3[%add3A_271, %dma_start3A_308] : memref<4000x80xi32, #tpu.memory_space<hbm>> -> memref<1x80xi32, #tpu.memory_space<hbm>>
      tpu.enqueue_dma source(%dma_start3A_309 : memref<1x80xi32, #tpu.memory_space<hbm>>) target(%arg7 : memref<1x80xi32, #tpu.memory_space<vmem>>) target_semaphore(%arg15 : memref<!tpu.dma_semaphore, #tpu.memory_space<semaphore_mem>>)
      %dma_start3A_310 = tpu.memref_slice %arg2[%multiple_of3A_285, %multiple_of3A_106] : memref<320000x512xf32, #tpu.memory_space<hbm>> -> memref<80x128xf32, #tpu.memory_space<hbm>>
      %dma_start3A_311 = tpu.memref_slice %arg2[%multiple_of3A_285, %multiple_of3A_106] : memref<320000x512xf32, #tpu.memory_space<hbm>> -> memref<80x128xf32, #tpu.memory_space<hbm>>
      tpu.enqueue_dma source(%dma_start3A_311 : memref<80x128xf32, #tpu.memory_space<hbm>>) target(%arg9 : memref<80x128xf32, #tpu.memory_space<vmem>>) target_semaphore(%arg11 : memref<!tpu.dma_semaphore, #tpu.memory_space<semaphore_mem>>)
    }
    %scan3A_146 = arith.constant 124 : i32
    %mul3A_147 = arith.constant 250 : i32
    %mul3A_148 = arith.muli %arg1, %mul3A_147 : i32
    %add3A_149 = arith.constant 248 : i32
    %add3A_150 = arith.addi %mul3A_148, %add3A_149 : i32
    %mul3A_151 = arith.constant 20000 : i32
    %mul3A_152 = arith.muli %arg1, %mul3A_151 : i32
    %add3A_153 = arith.constant 19840 : i32
    %add3A_154 = arith.addi %mul3A_152, %add3A_153 : i32
    %multiple_of3A_155 = tpu.assume_multiple %add3A_154, 80 : i32
    %dma_wait3A_156 = arith.constant 0 : i32
    %dma_wait3A_157 = tpu.memref_slice %arg3[%add3A_150, %dma_wait3A_156] : memref<4000x80xi32, #tpu.memory_space<hbm>> -> memref<1x80xi32, #tpu.memory_space<hbm>>
    %dma_wait3A_158 = arith.constant 0 : i32
    %dma_wait3A_159 = tpu.memref_slice %arg3[%add3A_150, %dma_wait3A_158] : memref<4000x80xi32, #tpu.memory_space<hbm>> -> memref<1x80xi32, #tpu.memory_space<hbm>>
    tpu.wait_dma2 semaphore(%arg14 : memref<!tpu.dma_semaphore, #tpu.memory_space<semaphore_mem>>) src(%dma_wait3A_159 : memref<1x80xi32, #tpu.memory_space<hbm>>) dst(%arg6 : memref<1x80xi32, #tpu.memory_space<vmem>>)
    %dma_wait3A_160 = tpu.memref_slice %arg2[%multiple_of3A_155, %multiple_of3A_106] : memref<320000x512xf32, #tpu.memory_space<hbm>> -> memref<80x128xf32, #tpu.memory_space<hbm>>
    %dma_wait3A_161 = tpu.memref_slice %arg2[%multiple_of3A_155, %multiple_of3A_106] : memref<320000x512xf32, #tpu.memory_space<hbm>> -> memref<80x128xf32, #tpu.memory_space<hbm>>
    tpu.wait_dma2 semaphore(%arg10 : memref<!tpu.dma_semaphore, #tpu.memory_space<semaphore_mem>>) src(%dma_wait3A_161 : memref<80x128xf32, #tpu.memory_space<hbm>>) dst(%arg8 : memref<80x128xf32, #tpu.memory_space<vmem>>)
    %dma_start3A_162 = arith.constant 0 : i32
    %dma_start3A_163 = arith.constant 0 : i32
    %dma_start3A_164 = tpu.memref_slice %arg6[%dma_start3A_162, %dma_start3A_163] : memref<1x80xi32, #tpu.memory_space<vmem>> -> memref<1x80xi32, #tpu.memory_space<vmem>>
    %dma_start3A_165 = tpu.memref_squeeze %dma_start3A_164 : memref<1x80xi32, #tpu.memory_space<vmem>> -> memref<80xi32, #tpu.memory_space<vmem>>
    %dma_start3A_166 = arith.constant 0 : i32
    %dma_start3A_167 = arith.constant 0 : i32
    %dma_start3A_168 = tpu.memref_slice %arg16[%dma_start3A_166, %dma_start3A_167] : memref<10240x128xf32, #tpu.memory_space<vmem_shared>> -> memref<10240x128xf32, #tpu.memory_space<vmem_shared>>
    tpu.enqueue_indirect_dma source(%arg8 : memref<80x128xf32, #tpu.memory_space<vmem>>) target(%dma_start3A_168 : memref<10240x128xf32, #tpu.memory_space<vmem_shared>>) offsets(%dma_start3A_165 : memref<80xi32, #tpu.memory_space<vmem>>) semaphore(%arg12 : memref<!tpu.dma_semaphore, #tpu.memory_space<semaphore_mem>>) {add = true}
    %mul3A_169 = arith.constant 250 : i32
    %mul3A_170 = arith.muli %arg1, %mul3A_169 : i32
    %add3A_171 = arith.constant 249 : i32
    %add3A_172 = arith.addi %mul3A_170, %add3A_171 : i32
    %mul3A_173 = arith.constant 20000 : i32
    %mul3A_174 = arith.muli %arg1, %mul3A_173 : i32
    %add3A_175 = arith.constant 19920 : i32
    %add3A_176 = arith.addi %mul3A_174, %add3A_175 : i32
    %multiple_of3A_177 = tpu.assume_multiple %add3A_176, 80 : i32
    %dma_wait3A_178 = arith.constant 0 : i32
    %dma_wait3A_179 = tpu.memref_slice %arg3[%add3A_172, %dma_wait3A_178] : memref<4000x80xi32, #tpu.memory_space<hbm>> -> memref<1x80xi32, #tpu.memory_space<hbm>>
    %dma_wait3A_180 = arith.constant 0 : i32
    %dma_wait3A_181 = tpu.memref_slice %arg3[%add3A_172, %dma_wait3A_180] : memref<4000x80xi32, #tpu.memory_space<hbm>> -> memref<1x80xi32, #tpu.memory_space<hbm>>
    tpu.wait_dma2 semaphore(%arg15 : memref<!tpu.dma_semaphore, #tpu.memory_space<semaphore_mem>>) src(%dma_wait3A_181 : memref<1x80xi32, #tpu.memory_space<hbm>>) dst(%arg7 : memref<1x80xi32, #tpu.memory_space<vmem>>)
    %dma_wait3A_182 = tpu.memref_slice %arg2[%multiple_of3A_177, %multiple_of3A_106] : memref<320000x512xf32, #tpu.memory_space<hbm>> -> memref<80x128xf32, #tpu.memory_space<hbm>>
    %dma_wait3A_183 = tpu.memref_slice %arg2[%multiple_of3A_177, %multiple_of3A_106] : memref<320000x512xf32, #tpu.memory_space<hbm>> -> memref<80x128xf32, #tpu.memory_space<hbm>>
    tpu.wait_dma2 semaphore(%arg11 : memref<!tpu.dma_semaphore, #tpu.memory_space<semaphore_mem>>) src(%dma_wait3A_183 : memref<80x128xf32, #tpu.memory_space<hbm>>) dst(%arg9 : memref<80x128xf32, #tpu.memory_space<vmem>>)
    %dma_start3A_184 = arith.constant 0 : i32
    %dma_start3A_185 = arith.constant 0 : i32
    %dma_start3A_186 = tpu.memref_slice %arg7[%dma_start3A_184, %dma_start3A_185] : memref<1x80xi32, #tpu.memory_space<vmem>> -> memref<1x80xi32, #tpu.memory_space<vmem>>
    %dma_start3A_187 = tpu.memref_squeeze %dma_start3A_186 : memref<1x80xi32, #tpu.memory_space<vmem>> -> memref<80xi32, #tpu.memory_space<vmem>>
    %dma_start3A_188 = arith.constant 0 : i32
    %dma_start3A_189 = arith.constant 0 : i32
    %dma_start3A_190 = tpu.memref_slice %arg16[%dma_start3A_188, %dma_start3A_189] : memref<10240x128xf32, #tpu.memory_space<vmem_shared>> -> memref<10240x128xf32, #tpu.memory_space<vmem_shared>>
    tpu.enqueue_indirect_dma source(%arg9 : memref<80x128xf32, #tpu.memory_space<vmem>>) target(%dma_start3A_190 : memref<10240x128xf32, #tpu.memory_space<vmem_shared>>) offsets(%dma_start3A_187 : memref<80xi32, #tpu.memory_space<vmem>>) semaphore(%arg13 : memref<!tpu.dma_semaphore, #tpu.memory_space<semaphore_mem>>) {add = true}
    %dma_wait3A_191 = arith.constant 0 : i32
    %dma_wait3A_192 = arith.constant 0 : i32
    %dma_wait3A_193 = tpu.memref_slice %arg6[%dma_wait3A_191, %dma_wait3A_192] : memref<1x80xi32, #tpu.memory_space<vmem>> -> memref<1x80xi32, #tpu.memory_space<vmem>>
    %dma_wait3A_194 = tpu.memref_squeeze %dma_wait3A_193 : memref<1x80xi32, #tpu.memory_space<vmem>> -> memref<80xi32, #tpu.memory_space<vmem>>
    %dma_wait3A_195 = arith.constant 0 : i32
    %dma_wait3A_196 = arith.constant 0 : i32
    %dma_wait3A_197 = tpu.memref_slice %arg16[%dma_wait3A_195, %dma_wait3A_196] : memref<10240x128xf32, #tpu.memory_space<vmem_shared>> -> memref<10240x128xf32, #tpu.memory_space<vmem_shared>>
    tpu.wait_indirect_dma semaphore(%arg12 : memref<!tpu.dma_semaphore, #tpu.memory_space<semaphore_mem>>) src(%arg8 : memref<80x128xf32, #tpu.memory_space<vmem>>) dst(%dma_wait3A_197 : memref<10240x128xf32, #tpu.memory_space<vmem_shared>>)
    %dma_wait3A_198 = arith.constant 0 : i32
    %dma_wait3A_199 = arith.constant 0 : i32
    %dma_wait3A_200 = tpu.memref_slice %arg7[%dma_wait3A_198, %dma_wait3A_199] : memref<1x80xi32, #tpu.memory_space<vmem>> -> memref<1x80xi32, #tpu.memory_space<vmem>>
    %dma_wait3A_201 = tpu.memref_squeeze %dma_wait3A_200 : memref<1x80xi32, #tpu.memory_space<vmem>> -> memref<80xi32, #tpu.memory_space<vmem>>
    %dma_wait3A_202 = arith.constant 0 : i32
    %dma_wait3A_203 = arith.constant 0 : i32
    %dma_wait3A_204 = tpu.memref_slice %arg16[%dma_wait3A_202, %dma_wait3A_203] : memref<10240x128xf32, #tpu.memory_space<vmem_shared>> -> memref<10240x128xf32, #tpu.memory_space<vmem_shared>>
    tpu.wait_indirect_dma semaphore(%arg13 : memref<!tpu.dma_semaphore, #tpu.memory_space<semaphore_mem>>) src(%arg9 : memref<80x128xf32, #tpu.memory_space<vmem>>) dst(%dma_wait3A_204 : memref<10240x128xf32, #tpu.memory_space<vmem_shared>>)
    %barrier3A_205 = arith.constant 0 : index
    tpu.barrier barrier_id(%barrier3A_205)
    "tpu.region"() ({
      %run_scoped3A = tpu.sem_alloc : memref<!tpu.dma_semaphore, #tpu.memory_space<semaphore_mem>>
      %dma_start3A_207 = tpu.memref_slice %arg5[%multiple_of3A_109, %multiple_of3A_106] : memref<10240x512xf32, #tpu.memory_space<hbm>> -> memref<640x128xf32, #tpu.memory_space<hbm>>
      %dma_start3A_208 = arith.constant 0 : i32
      %dma_start3A_209 = tpu.memref_slice %arg16[%multiple_of3A_109, %dma_start3A_208] : memref<10240x128xf32, #tpu.memory_space<vmem_shared>> -> memref<640x128xf32, #tpu.memory_space<vmem_shared>>
      tpu.enqueue_dma source(%dma_start3A_209 : memref<640x128xf32, #tpu.memory_space<vmem_shared>>) target(%dma_start3A_207 : memref<640x128xf32, #tpu.memory_space<hbm>>) target_semaphore(%run_scoped3A : memref<!tpu.dma_semaphore, #tpu.memory_space<semaphore_mem>>)
      %dma_wait3A_210 = tpu.memref_slice %arg5[%multiple_of3A_109, %multiple_of3A_106] : memref<10240x512xf32, #tpu.memory_space<hbm>> -> memref<640x128xf32, #tpu.memory_space<hbm>>
      %dma_wait3A_211 = arith.constant 0 : i32
      %dma_wait3A_212 = tpu.memref_slice %arg16[%multiple_of3A_109, %dma_wait3A_211] : memref<10240x128xf32, #tpu.memory_space<vmem_shared>> -> memref<640x128xf32, #tpu.memory_space<vmem_shared>>
      tpu.wait_dma2 semaphore(%run_scoped3A : memref<!tpu.dma_semaphore, #tpu.memory_space<semaphore_mem>>) src(%dma_wait3A_212 : memref<640x128xf32, #tpu.memory_space<vmem_shared>>) dst(%dma_wait3A_210 : memref<640x128xf32, #tpu.memory_space<hbm>>)
      tpu.yield
    }) : () -> ()
    %barrier3A_206 = arith.constant 0 : index
    tpu.barrier barrier_id(%barrier3A_206)
    return
  }
}

#map = affine_map<(d0, d1) -> (0, 0)>
#map1 = affine_map<(d0, d1) -> (0, 0, 0)>
module attributes {stable_mosaic.version = 14 : i64} {
  func.func @_gather_sc(%arg0: i32, %arg1: i32, %arg2: memref<10000x128xf32, #tpu.memory_space<hbm>>, %arg3: memref<32x125x80xi32, #tpu.memory_space<hbm>>, %arg4: memref<320000x128xf32, #tpu.memory_space<hbm>>, %arg5: memref<125x80xi32, #tpu.memory_space<vmem>>, %arg6: memref<80x128xf32, #tpu.memory_space<vmem>>, %arg7: memref<80x128xf32, #tpu.memory_space<vmem>>, %arg8: memref<!tpu.dma_semaphore, #tpu.memory_space<semaphore_mem>>, %arg9: memref<!tpu.dma_semaphore, #tpu.memory_space<semaphore_mem>>, %arg10: memref<!tpu.dma_semaphore, #tpu.memory_space<semaphore_mem>>, %arg11: memref<!tpu.dma_semaphore, #tpu.memory_space<semaphore_mem>>) attributes {dimension_semantics = [#tpu.dimension_semantics<core_parallel>, #tpu.dimension_semantics<subcore_parallel>], iteration_bounds = array<i64: 2, 16>, scalar_prefetch = 0 : i64, scratch_operands = 7 : i64, tpu.core_type = #tpu.core_type<sc_vector_subcore>, window_params = [{transform_indices = #map}, {transform_indices = #map1}, {transform_indices = #map}]} {
    %mul3A = arith.constant 2 : i32
    %mul3A_0 = arith.muli %arg1, %mul3A : i32
    %add3A = arith.addi %mul3A_0, %arg0 : i32
    %mul3A_1 = arith.constant 10000 : i32
    %mul3A_2 = arith.muli %add3A, %mul3A_1 : i32
    "tpu.region"() ({
      %run_scoped3A = tpu.sem_alloc : memref<!tpu.dma_semaphore, #tpu.memory_space<semaphore_mem>>
      %dma_start3A_44 = arith.constant 0 : i32
      %dma_start3A_45 = arith.constant 0 : i32
      %dma_start3A_46 = tpu.memref_slice %arg3[%add3A, %dma_start3A_44, %dma_start3A_45] : memref<32x125x80xi32, #tpu.memory_space<hbm>> -> memref<1x125x80xi32, #tpu.memory_space<hbm>>
      %dma_start3A_47 = tpu.memref_squeeze %dma_start3A_46 : memref<1x125x80xi32, #tpu.memory_space<hbm>> -> memref<125x80xi32, #tpu.memory_space<hbm>>
      %dma_start3A_48 = arith.constant 0 : i32
      %dma_start3A_49 = arith.constant 0 : i32
      %dma_start3A_50 = tpu.memref_slice %arg3[%add3A, %dma_start3A_48, %dma_start3A_49] : memref<32x125x80xi32, #tpu.memory_space<hbm>> -> memref<1x125x80xi32, #tpu.memory_space<hbm>>
      %dma_start3A_51 = tpu.memref_squeeze %dma_start3A_50 : memref<1x125x80xi32, #tpu.memory_space<hbm>> -> memref<125x80xi32, #tpu.memory_space<hbm>>
      tpu.enqueue_dma source(%dma_start3A_51 : memref<125x80xi32, #tpu.memory_space<hbm>>) target(%arg5 : memref<125x80xi32, #tpu.memory_space<vmem>>) target_semaphore(%run_scoped3A : memref<!tpu.dma_semaphore, #tpu.memory_space<semaphore_mem>>)
      %dma_wait3A_52 = arith.constant 0 : i32
      %dma_wait3A_53 = arith.constant 0 : i32
      %dma_wait3A_54 = tpu.memref_slice %arg3[%add3A, %dma_wait3A_52, %dma_wait3A_53] : memref<32x125x80xi32, #tpu.memory_space<hbm>> -> memref<1x125x80xi32, #tpu.memory_space<hbm>>
      %dma_wait3A_55 = tpu.memref_squeeze %dma_wait3A_54 : memref<1x125x80xi32, #tpu.memory_space<hbm>> -> memref<125x80xi32, #tpu.memory_space<hbm>>
      %dma_wait3A_56 = arith.constant 0 : i32
      %dma_wait3A_57 = arith.constant 0 : i32
      %dma_wait3A_58 = tpu.memref_slice %arg3[%add3A, %dma_wait3A_56, %dma_wait3A_57] : memref<32x125x80xi32, #tpu.memory_space<hbm>> -> memref<1x125x80xi32, #tpu.memory_space<hbm>>
      %dma_wait3A_59 = tpu.memref_squeeze %dma_wait3A_58 : memref<1x125x80xi32, #tpu.memory_space<hbm>> -> memref<125x80xi32, #tpu.memory_space<hbm>>
      tpu.wait_dma2 semaphore(%run_scoped3A : memref<!tpu.dma_semaphore, #tpu.memory_space<semaphore_mem>>) src(%dma_wait3A_59 : memref<125x80xi32, #tpu.memory_space<hbm>>) dst(%arg5 : memref<125x80xi32, #tpu.memory_space<vmem>>)
      tpu.yield
    }) : () -> ()
    %dma_start3A = arith.constant 0 : i32
    %dma_start3A_3 = arith.constant 0 : i32
    %dma_start3A_4 = tpu.memref_slice %arg5[%dma_start3A, %dma_start3A_3] : memref<125x80xi32, #tpu.memory_space<vmem>> -> memref<1x80xi32, #tpu.memory_space<vmem>>
    %dma_start3A_5 = tpu.memref_squeeze %dma_start3A_4 : memref<1x80xi32, #tpu.memory_space<vmem>> -> memref<80xi32, #tpu.memory_space<vmem>>
    %dma_start3A_6 = arith.constant 0 : i32
    %dma_start3A_7 = arith.constant 0 : i32
    %dma_start3A_8 = tpu.memref_slice %arg2[%dma_start3A_6, %dma_start3A_7] : memref<10000x128xf32, #tpu.memory_space<hbm>> -> memref<10000x128xf32, #tpu.memory_space<hbm>>
    tpu.enqueue_indirect_dma source(%dma_start3A_8 : memref<10000x128xf32, #tpu.memory_space<hbm>>) target(%arg6 : memref<80x128xf32, #tpu.memory_space<vmem>>) offsets(%dma_start3A_5 : memref<80xi32, #tpu.memory_space<vmem>>) semaphore(%arg8 : memref<!tpu.dma_semaphore, #tpu.memory_space<semaphore_mem>>)
    %dma_start3A_9 = arith.constant 1 : i32
    %dma_start3A_10 = arith.constant 0 : i32
    %dma_start3A_11 = tpu.memref_slice %arg5[%dma_start3A_9, %dma_start3A_10] : memref<125x80xi32, #tpu.memory_space<vmem>> -> memref<1x80xi32, #tpu.memory_space<vmem>>
    %dma_start3A_12 = tpu.memref_squeeze %dma_start3A_11 : memref<1x80xi32, #tpu.memory_space<vmem>> -> memref<80xi32, #tpu.memory_space<vmem>>
    %dma_start3A_13 = arith.constant 0 : i32
    %dma_start3A_14 = arith.constant 0 : i32
    %dma_start3A_15 = tpu.memref_slice %arg2[%dma_start3A_13, %dma_start3A_14] : memref<10000x128xf32, #tpu.memory_space<hbm>> -> memref<10000x128xf32, #tpu.memory_space<hbm>>
    tpu.enqueue_indirect_dma source(%dma_start3A_15 : memref<10000x128xf32, #tpu.memory_space<hbm>>) target(%arg7 : memref<80x128xf32, #tpu.memory_space<vmem>>) offsets(%dma_start3A_12 : memref<80xi32, #tpu.memory_space<vmem>>) semaphore(%arg9 : memref<!tpu.dma_semaphore, #tpu.memory_space<semaphore_mem>>)
    %scan3A = arith.constant 0 : i32
    %scan3A_16 = arith.constant 0 : i32
    %scan3A_17 = arith.constant 62 : i32
    %scan3A_18 = arith.addi %scan3A_16, %scan3A_17 : i32
    %scan3A_19 = arith.constant 1 : i32
    scf.for %scan3A_44 = %scan3A_16 to %scan3A_18 step %scan3A_19  : i32 {
      %mul3A_45 = arith.constant 2 : i32
      %mul3A_46 = arith.muli %scan3A_44, %mul3A_45 : i32
      %add3A_47 = arith.constant 0 : i32
      %add3A_48 = arith.addi %mul3A_46, %add3A_47 : i32
      %mul3A_49 = arith.constant 80 : i32
      %mul3A_50 = arith.muli %add3A_48, %mul3A_49 : i32
      %add3A_51 = arith.addi %mul3A_2, %mul3A_50 : i32
      %multiple_of3A_52 = tpu.assume_multiple %add3A_51, 80 : i32
      %dma_wait3A_53 = arith.constant 0 : i32
      %dma_wait3A_54 = tpu.memref_slice %arg5[%add3A_48, %dma_wait3A_53] : memref<125x80xi32, #tpu.memory_space<vmem>> -> memref<1x80xi32, #tpu.memory_space<vmem>>
      %dma_wait3A_55 = tpu.memref_squeeze %dma_wait3A_54 : memref<1x80xi32, #tpu.memory_space<vmem>> -> memref<80xi32, #tpu.memory_space<vmem>>
      %dma_wait3A_56 = arith.constant 0 : i32
      %dma_wait3A_57 = arith.constant 0 : i32
      %dma_wait3A_58 = tpu.memref_slice %arg2[%dma_wait3A_56, %dma_wait3A_57] : memref<10000x128xf32, #tpu.memory_space<hbm>> -> memref<10000x128xf32, #tpu.memory_space<hbm>>
      tpu.wait_indirect_dma semaphore(%arg8 : memref<!tpu.dma_semaphore, #tpu.memory_space<semaphore_mem>>) src(%dma_wait3A_58 : memref<10000x128xf32, #tpu.memory_space<hbm>>) dst(%arg6 : memref<80x128xf32, #tpu.memory_space<vmem>>)
      %dma_start3A_59 = arith.constant 0 : i32
      %dma_start3A_60 = tpu.memref_slice %arg4[%multiple_of3A_52, %dma_start3A_59] : memref<320000x128xf32, #tpu.memory_space<hbm>> -> memref<80x128xf32, #tpu.memory_space<hbm>>
      %dma_start3A_61 = arith.constant 0 : i32
      %dma_start3A_62 = tpu.memref_slice %arg4[%multiple_of3A_52, %dma_start3A_61] : memref<320000x128xf32, #tpu.memory_space<hbm>> -> memref<80x128xf32, #tpu.memory_space<hbm>>
      tpu.enqueue_dma source(%arg6 : memref<80x128xf32, #tpu.memory_space<vmem>>) target(%dma_start3A_62 : memref<80x128xf32, #tpu.memory_space<hbm>>) target_semaphore(%arg10 : memref<!tpu.dma_semaphore, #tpu.memory_space<semaphore_mem>>)
      %add3A_63 = arith.constant 2 : i32
      %add3A_64 = arith.addi %add3A_48, %add3A_63 : i32
      %lt3A = arith.constant 125 : i32
      %lt3A_65 = arith.cmpi slt, %add3A_64, %lt3A : i32
      %convert_element_type3A = arith.extui %lt3A_65 : i1 to i32
      %cond3A = arith.constant 0 : i32
      %cond3A_66 = arith.cmpi ne, %convert_element_type3A, %cond3A : i32
      scf.if %cond3A_66 {
        %dma_wait3A_92 = arith.constant 0 : i32
        %dma_wait3A_93 = tpu.memref_slice %arg4[%multiple_of3A_52, %dma_wait3A_92] : memref<320000x128xf32, #tpu.memory_space<hbm>> -> memref<80x128xf32, #tpu.memory_space<hbm>>
        %dma_wait3A_94 = arith.constant 0 : i32
        %dma_wait3A_95 = tpu.memref_slice %arg4[%multiple_of3A_52, %dma_wait3A_94] : memref<320000x128xf32, #tpu.memory_space<hbm>> -> memref<80x128xf32, #tpu.memory_space<hbm>>
        tpu.wait_dma2 semaphore(%arg10 : memref<!tpu.dma_semaphore, #tpu.memory_space<semaphore_mem>>) src(%arg6 : memref<80x128xf32, #tpu.memory_space<vmem>>) dst(%dma_wait3A_95 : memref<80x128xf32, #tpu.memory_space<hbm>>)
        %add3A_96 = arith.constant 2 : i32
        %add3A_97 = arith.addi %add3A_48, %add3A_96 : i32
        %dma_start3A_98 = arith.constant 0 : i32
        %dma_start3A_99 = tpu.memref_slice %arg5[%add3A_97, %dma_start3A_98] : memref<125x80xi32, #tpu.memory_space<vmem>> -> memref<1x80xi32, #tpu.memory_space<vmem>>
        %dma_start3A_100 = tpu.memref_squeeze %dma_start3A_99 : memref<1x80xi32, #tpu.memory_space<vmem>> -> memref<80xi32, #tpu.memory_space<vmem>>
        %dma_start3A_101 = arith.constant 0 : i32
        %dma_start3A_102 = arith.constant 0 : i32
        %dma_start3A_103 = tpu.memref_slice %arg2[%dma_start3A_101, %dma_start3A_102] : memref<10000x128xf32, #tpu.memory_space<hbm>> -> memref<10000x128xf32, #tpu.memory_space<hbm>>
        tpu.enqueue_indirect_dma source(%dma_start3A_103 : memref<10000x128xf32, #tpu.memory_space<hbm>>) target(%arg6 : memref<80x128xf32, #tpu.memory_space<vmem>>) offsets(%dma_start3A_100 : memref<80xi32, #tpu.memory_space<vmem>>) semaphore(%arg8 : memref<!tpu.dma_semaphore, #tpu.memory_space<semaphore_mem>>)
      } else {
      }
      %mul3A_67 = arith.constant 2 : i32
      %mul3A_68 = arith.muli %scan3A_44, %mul3A_67 : i32
      %add3A_69 = arith.constant 1 : i32
      %add3A_70 = arith.addi %mul3A_68, %add3A_69 : i32
      %mul3A_71 = arith.constant 80 : i32
      %mul3A_72 = arith.muli %add3A_70, %mul3A_71 : i32
      %add3A_73 = arith.addi %mul3A_2, %mul3A_72 : i32
      %multiple_of3A_74 = tpu.assume_multiple %add3A_73, 80 : i32
      %dma_wait3A_75 = arith.constant 0 : i32
      %dma_wait3A_76 = tpu.memref_slice %arg5[%add3A_70, %dma_wait3A_75] : memref<125x80xi32, #tpu.memory_space<vmem>> -> memref<1x80xi32, #tpu.memory_space<vmem>>
      %dma_wait3A_77 = tpu.memref_squeeze %dma_wait3A_76 : memref<1x80xi32, #tpu.memory_space<vmem>> -> memref<80xi32, #tpu.memory_space<vmem>>
      %dma_wait3A_78 = arith.constant 0 : i32
      %dma_wait3A_79 = arith.constant 0 : i32
      %dma_wait3A_80 = tpu.memref_slice %arg2[%dma_wait3A_78, %dma_wait3A_79] : memref<10000x128xf32, #tpu.memory_space<hbm>> -> memref<10000x128xf32, #tpu.memory_space<hbm>>
      tpu.wait_indirect_dma semaphore(%arg9 : memref<!tpu.dma_semaphore, #tpu.memory_space<semaphore_mem>>) src(%dma_wait3A_80 : memref<10000x128xf32, #tpu.memory_space<hbm>>) dst(%arg7 : memref<80x128xf32, #tpu.memory_space<vmem>>)
      %dma_start3A_81 = arith.constant 0 : i32
      %dma_start3A_82 = tpu.memref_slice %arg4[%multiple_of3A_74, %dma_start3A_81] : memref<320000x128xf32, #tpu.memory_space<hbm>> -> memref<80x128xf32, #tpu.memory_space<hbm>>
      %dma_start3A_83 = arith.constant 0 : i32
      %dma_start3A_84 = tpu.memref_slice %arg4[%multiple_of3A_74, %dma_start3A_83] : memref<320000x128xf32, #tpu.memory_space<hbm>> -> memref<80x128xf32, #tpu.memory_space<hbm>>
      tpu.enqueue_dma source(%arg7 : memref<80x128xf32, #tpu.memory_space<vmem>>) target(%dma_start3A_84 : memref<80x128xf32, #tpu.memory_space<hbm>>) target_semaphore(%arg11 : memref<!tpu.dma_semaphore, #tpu.memory_space<semaphore_mem>>)
      %add3A_85 = arith.constant 2 : i32
      %add3A_86 = arith.addi %add3A_70, %add3A_85 : i32
      %lt3A_87 = arith.constant 125 : i32
      %lt3A_88 = arith.cmpi slt, %add3A_86, %lt3A_87 : i32
      %convert_element_type3A_89 = arith.extui %lt3A_88 : i1 to i32
      %cond3A_90 = arith.constant 0 : i32
      %cond3A_91 = arith.cmpi ne, %convert_element_type3A_89, %cond3A_90 : i32
      scf.if %cond3A_91 {
        %dma_wait3A_92 = arith.constant 0 : i32
        %dma_wait3A_93 = tpu.memref_slice %arg4[%multiple_of3A_74, %dma_wait3A_92] : memref<320000x128xf32, #tpu.memory_space<hbm>> -> memref<80x128xf32, #tpu.memory_space<hbm>>
        %dma_wait3A_94 = arith.constant 0 : i32
        %dma_wait3A_95 = tpu.memref_slice %arg4[%multiple_of3A_74, %dma_wait3A_94] : memref<320000x128xf32, #tpu.memory_space<hbm>> -> memref<80x128xf32, #tpu.memory_space<hbm>>
        tpu.wait_dma2 semaphore(%arg11 : memref<!tpu.dma_semaphore, #tpu.memory_space<semaphore_mem>>) src(%arg7 : memref<80x128xf32, #tpu.memory_space<vmem>>) dst(%dma_wait3A_95 : memref<80x128xf32, #tpu.memory_space<hbm>>)
        %add3A_96 = arith.constant 2 : i32
        %add3A_97 = arith.addi %add3A_70, %add3A_96 : i32
        %dma_start3A_98 = arith.constant 0 : i32
        %dma_start3A_99 = tpu.memref_slice %arg5[%add3A_97, %dma_start3A_98] : memref<125x80xi32, #tpu.memory_space<vmem>> -> memref<1x80xi32, #tpu.memory_space<vmem>>
        %dma_start3A_100 = tpu.memref_squeeze %dma_start3A_99 : memref<1x80xi32, #tpu.memory_space<vmem>> -> memref<80xi32, #tpu.memory_space<vmem>>
        %dma_start3A_101 = arith.constant 0 : i32
        %dma_start3A_102 = arith.constant 0 : i32
        %dma_start3A_103 = tpu.memref_slice %arg2[%dma_start3A_101, %dma_start3A_102] : memref<10000x128xf32, #tpu.memory_space<hbm>> -> memref<10000x128xf32, #tpu.memory_space<hbm>>
        tpu.enqueue_indirect_dma source(%dma_start3A_103 : memref<10000x128xf32, #tpu.memory_space<hbm>>) target(%arg7 : memref<80x128xf32, #tpu.memory_space<vmem>>) offsets(%dma_start3A_100 : memref<80xi32, #tpu.memory_space<vmem>>) semaphore(%arg9 : memref<!tpu.dma_semaphore, #tpu.memory_space<semaphore_mem>>)
      } else {
      }
    }
    %scan3A_20 = arith.constant 62 : i32
    %add3A_21 = arith.constant 9920 : i32
    %add3A_22 = arith.addi %mul3A_2, %add3A_21 : i32
    %multiple_of3A = tpu.assume_multiple %add3A_22, 80 : i32
    %dma_wait3A = arith.constant 124 : i32
    %dma_wait3A_23 = arith.constant 0 : i32
    %dma_wait3A_24 = tpu.memref_slice %arg5[%dma_wait3A, %dma_wait3A_23] : memref<125x80xi32, #tpu.memory_space<vmem>> -> memref<1x80xi32, #tpu.memory_space<vmem>>
    %dma_wait3A_25 = tpu.memref_squeeze %dma_wait3A_24 : memref<1x80xi32, #tpu.memory_space<vmem>> -> memref<80xi32, #tpu.memory_space<vmem>>
    %dma_wait3A_26 = arith.constant 0 : i32
    %dma_wait3A_27 = arith.constant 0 : i32
    %dma_wait3A_28 = tpu.memref_slice %arg2[%dma_wait3A_26, %dma_wait3A_27] : memref<10000x128xf32, #tpu.memory_space<hbm>> -> memref<10000x128xf32, #tpu.memory_space<hbm>>
    tpu.wait_indirect_dma semaphore(%arg8 : memref<!tpu.dma_semaphore, #tpu.memory_space<semaphore_mem>>) src(%dma_wait3A_28 : memref<10000x128xf32, #tpu.memory_space<hbm>>) dst(%arg6 : memref<80x128xf32, #tpu.memory_space<vmem>>)
    %dma_start3A_29 = arith.constant 0 : i32
    %dma_start3A_30 = tpu.memref_slice %arg4[%multiple_of3A, %dma_start3A_29] : memref<320000x128xf32, #tpu.memory_space<hbm>> -> memref<80x128xf32, #tpu.memory_space<hbm>>
    %dma_start3A_31 = arith.constant 0 : i32
    %dma_start3A_32 = tpu.memref_slice %arg4[%multiple_of3A, %dma_start3A_31] : memref<320000x128xf32, #tpu.memory_space<hbm>> -> memref<80x128xf32, #tpu.memory_space<hbm>>
    tpu.enqueue_dma source(%arg6 : memref<80x128xf32, #tpu.memory_space<vmem>>) target(%dma_start3A_32 : memref<80x128xf32, #tpu.memory_space<hbm>>) target_semaphore(%arg10 : memref<!tpu.dma_semaphore, #tpu.memory_space<semaphore_mem>>)
    %add3A_33 = arith.constant 9840 : i32
    %add3A_34 = arith.addi %mul3A_2, %add3A_33 : i32
    %multiple_of3A_35 = tpu.assume_multiple %add3A_34, 80 : i32
    %dma_wait3A_36 = arith.constant 0 : i32
    %dma_wait3A_37 = tpu.memref_slice %arg4[%multiple_of3A_35, %dma_wait3A_36] : memref<320000x128xf32, #tpu.memory_space<hbm>> -> memref<80x128xf32, #tpu.memory_space<hbm>>
    %dma_wait3A_38 = arith.constant 0 : i32
    %dma_wait3A_39 = tpu.memref_slice %arg4[%multiple_of3A_35, %dma_wait3A_38] : memref<320000x128xf32, #tpu.memory_space<hbm>> -> memref<80x128xf32, #tpu.memory_space<hbm>>
    tpu.wait_dma2 semaphore(%arg11 : memref<!tpu.dma_semaphore, #tpu.memory_space<semaphore_mem>>) src(%arg7 : memref<80x128xf32, #tpu.memory_space<vmem>>) dst(%dma_wait3A_39 : memref<80x128xf32, #tpu.memory_space<hbm>>)
    %dma_wait3A_40 = arith.constant 0 : i32
    %dma_wait3A_41 = tpu.memref_slice %arg4[%multiple_of3A, %dma_wait3A_40] : memref<320000x128xf32, #tpu.memory_space<hbm>> -> memref<80x128xf32, #tpu.memory_space<hbm>>
    %dma_wait3A_42 = arith.constant 0 : i32
    %dma_wait3A_43 = tpu.memref_slice %arg4[%multiple_of3A, %dma_wait3A_42] : memref<320000x128xf32, #tpu.memory_space<hbm>> -> memref<80x128xf32, #tpu.memory_space<hbm>>
    tpu.wait_dma2 semaphore(%arg10 : memref<!tpu.dma_semaphore, #tpu.memory_space<semaphore_mem>>) src(%arg6 : memref<80x128xf32, #tpu.memory_space<vmem>>) dst(%dma_wait3A_43 : memref<80x128xf32, #tpu.memory_space<hbm>>)
    return
  }
}

module attributes {stable_mosaic.version = 14 : i64} {
  func.func @_pre_body(%arg0: i32, %arg1: memref<1000x128xf32, #tpu.memory_space<vmem>>, %arg2: memref<1000x8xf32, #tpu.memory_space<vmem>>, %arg3: memref<128x128xf32, #tpu.memory_space<vmem>>, %arg4: memref<8x128x192xf32, #tpu.memory_space<vmem>>, %arg5: memref<1000x128xf32, #tpu.memory_space<vmem>>, %arg6: memref<1000x192xf32, #tpu.memory_space<vmem>>) attributes {dimension_semantics = [#tpu.dimension_semantics<arbitrary>], iteration_bounds = array<i64: 10>, scalar_prefetch = 0 : i64, scratch_operands = 0 : i64, tpu.core_type = #tpu.core_type<tc>, window_params = [{transform_indices = @transform_0, window_bounds = array<i64: 1000, 128>}, {transform_indices = @transform_1, window_bounds = array<i64: 1000, 8>}, {pipeline_mode = #tpu.pipeline_mode<synchronous>, transform_indices = @transform_2, window_bounds = array<i64: 128, 128>}, {pipeline_mode = #tpu.pipeline_mode<synchronous>, transform_indices = @transform_3, window_bounds = array<i64: 8, 128, 192>}, {transform_indices = @transform_4, window_bounds = array<i64: 1000, 128>}, {transform_indices = @transform_5, window_bounds = array<i64: 1000, 192>}]} {
    %get3A = arith.constant 0 : index
    %get3A_0 = arith.constant 0 : index
    %get3A_1 = vector.load %arg1[%get3A, %get3A_0] : memref<1000x128xf32, #tpu.memory_space<vmem>>, vector<1000x128xf32>
    %get3A_2 = arith.constant 0 : index
    %get3A_3 = arith.constant 0 : index
    %get3A_4 = vector.load %arg3[%get3A_2, %get3A_3] : memref<128x128xf32, #tpu.memory_space<vmem>>, vector<128x128xf32>
    %dot_general3A = arith.constant dense<0.000000e+00> : vector<1000x128xf32>
    %dot_general3A_5 = tpu.matmul %get3A_1, %get3A_4, %dot_general3A {dimension_numbers = #tpu.dot_dimension_numbers<[1], [0], [0], [1], [0, 0, 1, 1], [], []>, transpose_lhs_hint = false} : vector<1000x128xf32>, vector<128x128xf32>, vector<1000x128xf32> -> vector<1000x128xf32>
    %mul3A = arith.constant 0.0883883461 : f32
    %mul3A_6 = vector.broadcast %mul3A : f32 to vector<1000x128xf32>
    %mul3A_7 = arith.mulf %dot_general3A_5, %mul3A_6 : vector<1000x128xf32>
    %swap3A = arith.constant 0 : index
    %swap3A_8 = arith.constant 0 : index
    %swap3A_9 = vector.load %arg5[%swap3A, %swap3A_8] : memref<1000x128xf32, #tpu.memory_space<vmem>>, vector<1000x128xf32>
    tpu.vector_store %arg5[%swap3A, %swap3A_8], %mul3A_7 {strides = array<i32>} : memref<1000x128xf32, #tpu.memory_space<vmem>>, vector<1000x128xf32>,
    %get3A_10 = arith.constant 0 : index
    %get3A_11 = arith.constant 0 : index
    %get3A_12 = vector.load %arg2[%get3A_10, %get3A_11] : memref<1000x8xf32, #tpu.memory_space<vmem>>, vector<1000x8xf32>
    %broadcast_in_dim3A = arith.constant 0.000000e+00 : f32
    %broadcast_in_dim3A_13 = vector.broadcast %broadcast_in_dim3A : f32 to vector<1000x192xf32>
    %slice3A = vector.extract_strided_slice %get3A_12 {offsets = [0, 0], sizes = [1000, 1], strides = [1, 1]} : vector<1000x8xf32> to vector<1000x1xf32>
    %mul3A_14 = vector.broadcast %slice3A : vector<1000x1xf32> to vector<1000x128xf32>
    %mul3A_15 = arith.mulf %get3A_1, %mul3A_14 : vector<1000x128xf32>
    %get3A_16 = arith.constant 0 : index
    %get3A_17 = arith.constant 0 : index
    %get3A_18 = arith.constant 0 : index
    %get3A_19 = vector.load %arg4[%get3A_16, %get3A_17, %get3A_18] : memref<8x128x192xf32, #tpu.memory_space<vmem>>, vector<1x128x192xf32>
    %get3A_20 = vector.shape_cast %get3A_19 : vector<1x128x192xf32> to vector<128x192xf32>
    %dot_general3A_21 = arith.constant dense<0.000000e+00> : vector<1000x192xf32>
    %dot_general3A_22 = tpu.matmul %mul3A_15, %get3A_20, %dot_general3A_21 {dimension_numbers = #tpu.dot_dimension_numbers<[1], [0], [0], [1], [0, 0, 1, 1], [], []>, transpose_lhs_hint = false} : vector<1000x128xf32>, vector<128x192xf32>, vector<1000x192xf32> -> vector<1000x192xf32>
    %add3A = arith.addf %broadcast_in_dim3A_13, %dot_general3A_22 : vector<1000x192xf32>
    %slice3A_23 = vector.extract_strided_slice %get3A_12 {offsets = [0, 1], sizes = [1000, 1], strides = [1, 1]} : vector<1000x8xf32> to vector<1000x1xf32>
    %mul3A_24 = vector.broadcast %slice3A_23 : vector<1000x1xf32> to vector<1000x128xf32>
    %mul3A_25 = arith.mulf %get3A_1, %mul3A_24 : vector<1000x128xf32>
    %get3A_26 = arith.constant 1 : index
    %get3A_27 = arith.constant 0 : index
    %get3A_28 = arith.constant 0 : index
    %get3A_29 = vector.load %arg4[%get3A_26, %get3A_27, %get3A_28] : memref<8x128x192xf32, #tpu.memory_space<vmem>>, vector<1x128x192xf32>
    %get3A_30 = vector.shape_cast %get3A_29 : vector<1x128x192xf32> to vector<128x192xf32>
    %dot_general3A_31 = arith.constant dense<0.000000e+00> : vector<1000x192xf32>
    %dot_general3A_32 = tpu.matmul %mul3A_25, %get3A_30, %dot_general3A_31 {dimension_numbers = #tpu.dot_dimension_numbers<[1], [0], [0], [1], [0, 0, 1, 1], [], []>, transpose_lhs_hint = false} : vector<1000x128xf32>, vector<128x192xf32>, vector<1000x192xf32> -> vector<1000x192xf32>
    %add3A_33 = arith.addf %add3A, %dot_general3A_32 : vector<1000x192xf32>
    %slice3A_34 = vector.extract_strided_slice %get3A_12 {offsets = [0, 2], sizes = [1000, 1], strides = [1, 1]} : vector<1000x8xf32> to vector<1000x1xf32>
    %mul3A_35 = vector.broadcast %slice3A_34 : vector<1000x1xf32> to vector<1000x128xf32>
    %mul3A_36 = arith.mulf %get3A_1, %mul3A_35 : vector<1000x128xf32>
    %get3A_37 = arith.constant 2 : index
    %get3A_38 = arith.constant 0 : index
    %get3A_39 = arith.constant 0 : index
    %get3A_40 = vector.load %arg4[%get3A_37, %get3A_38, %get3A_39] : memref<8x128x192xf32, #tpu.memory_space<vmem>>, vector<1x128x192xf32>
    %get3A_41 = vector.shape_cast %get3A_40 : vector<1x128x192xf32> to vector<128x192xf32>
    %dot_general3A_42 = arith.constant dense<0.000000e+00> : vector<1000x192xf32>
    %dot_general3A_43 = tpu.matmul %mul3A_36, %get3A_41, %dot_general3A_42 {dimension_numbers = #tpu.dot_dimension_numbers<[1], [0], [0], [1], [0, 0, 1, 1], [], []>, transpose_lhs_hint = false} : vector<1000x128xf32>, vector<128x192xf32>, vector<1000x192xf32> -> vector<1000x192xf32>
    %add3A_44 = arith.addf %add3A_33, %dot_general3A_43 : vector<1000x192xf32>
    %slice3A_45 = vector.extract_strided_slice %get3A_12 {offsets = [0, 3], sizes = [1000, 1], strides = [1, 1]} : vector<1000x8xf32> to vector<1000x1xf32>
    %mul3A_46 = vector.broadcast %slice3A_45 : vector<1000x1xf32> to vector<1000x128xf32>
    %mul3A_47 = arith.mulf %get3A_1, %mul3A_46 : vector<1000x128xf32>
    %get3A_48 = arith.constant 3 : index
    %get3A_49 = arith.constant 0 : index
    %get3A_50 = arith.constant 0 : index
    %get3A_51 = vector.load %arg4[%get3A_48, %get3A_49, %get3A_50] : memref<8x128x192xf32, #tpu.memory_space<vmem>>, vector<1x128x192xf32>
    %get3A_52 = vector.shape_cast %get3A_51 : vector<1x128x192xf32> to vector<128x192xf32>
    %dot_general3A_53 = arith.constant dense<0.000000e+00> : vector<1000x192xf32>
    %dot_general3A_54 = tpu.matmul %mul3A_47, %get3A_52, %dot_general3A_53 {dimension_numbers = #tpu.dot_dimension_numbers<[1], [0], [0], [1], [0, 0, 1, 1], [], []>, transpose_lhs_hint = false} : vector<1000x128xf32>, vector<128x192xf32>, vector<1000x192xf32> -> vector<1000x192xf32>
    %add3A_55 = arith.addf %add3A_44, %dot_general3A_54 : vector<1000x192xf32>
    %slice3A_56 = vector.extract_strided_slice %get3A_12 {offsets = [0, 4], sizes = [1000, 1], strides = [1, 1]} : vector<1000x8xf32> to vector<1000x1xf32>
    %mul3A_57 = vector.broadcast %slice3A_56 : vector<1000x1xf32> to vector<1000x128xf32>
    %mul3A_58 = arith.mulf %get3A_1, %mul3A_57 : vector<1000x128xf32>
    %get3A_59 = arith.constant 4 : index
    %get3A_60 = arith.constant 0 : index
    %get3A_61 = arith.constant 0 : index
    %get3A_62 = vector.load %arg4[%get3A_59, %get3A_60, %get3A_61] : memref<8x128x192xf32, #tpu.memory_space<vmem>>, vector<1x128x192xf32>
    %get3A_63 = vector.shape_cast %get3A_62 : vector<1x128x192xf32> to vector<128x192xf32>
    %dot_general3A_64 = arith.constant dense<0.000000e+00> : vector<1000x192xf32>
    %dot_general3A_65 = tpu.matmul %mul3A_58, %get3A_63, %dot_general3A_64 {dimension_numbers = #tpu.dot_dimension_numbers<[1], [0], [0], [1], [0, 0, 1, 1], [], []>, transpose_lhs_hint = false} : vector<1000x128xf32>, vector<128x192xf32>, vector<1000x192xf32> -> vector<1000x192xf32>
    %add3A_66 = arith.addf %add3A_55, %dot_general3A_65 : vector<1000x192xf32>
    %slice3A_67 = vector.extract_strided_slice %get3A_12 {offsets = [0, 5], sizes = [1000, 1], strides = [1, 1]} : vector<1000x8xf32> to vector<1000x1xf32>
    %mul3A_68 = vector.broadcast %slice3A_67 : vector<1000x1xf32> to vector<1000x128xf32>
    %mul3A_69 = arith.mulf %get3A_1, %mul3A_68 : vector<1000x128xf32>
    %get3A_70 = arith.constant 5 : index
    %get3A_71 = arith.constant 0 : index
    %get3A_72 = arith.constant 0 : index
    %get3A_73 = vector.load %arg4[%get3A_70, %get3A_71, %get3A_72] : memref<8x128x192xf32, #tpu.memory_space<vmem>>, vector<1x128x192xf32>
    %get3A_74 = vector.shape_cast %get3A_73 : vector<1x128x192xf32> to vector<128x192xf32>
    %dot_general3A_75 = arith.constant dense<0.000000e+00> : vector<1000x192xf32>
    %dot_general3A_76 = tpu.matmul %mul3A_69, %get3A_74, %dot_general3A_75 {dimension_numbers = #tpu.dot_dimension_numbers<[1], [0], [0], [1], [0, 0, 1, 1], [], []>, transpose_lhs_hint = false} : vector<1000x128xf32>, vector<128x192xf32>, vector<1000x192xf32> -> vector<1000x192xf32>
    %add3A_77 = arith.addf %add3A_66, %dot_general3A_76 : vector<1000x192xf32>
    %slice3A_78 = vector.extract_strided_slice %get3A_12 {offsets = [0, 6], sizes = [1000, 1], strides = [1, 1]} : vector<1000x8xf32> to vector<1000x1xf32>
    %mul3A_79 = vector.broadcast %slice3A_78 : vector<1000x1xf32> to vector<1000x128xf32>
    %mul3A_80 = arith.mulf %get3A_1, %mul3A_79 : vector<1000x128xf32>
    %get3A_81 = arith.constant 6 : index
    %get3A_82 = arith.constant 0 : index
    %get3A_83 = arith.constant 0 : index
    %get3A_84 = vector.load %arg4[%get3A_81, %get3A_82, %get3A_83] : memref<8x128x192xf32, #tpu.memory_space<vmem>>, vector<1x128x192xf32>
    %get3A_85 = vector.shape_cast %get3A_84 : vector<1x128x192xf32> to vector<128x192xf32>
    %dot_general3A_86 = arith.constant dense<0.000000e+00> : vector<1000x192xf32>
    %dot_general3A_87 = tpu.matmul %mul3A_80, %get3A_85, %dot_general3A_86 {dimension_numbers = #tpu.dot_dimension_numbers<[1], [0], [0], [1], [0, 0, 1, 1], [], []>, transpose_lhs_hint = false} : vector<1000x128xf32>, vector<128x192xf32>, vector<1000x192xf32> -> vector<1000x192xf32>
    %add3A_88 = arith.addf %add3A_77, %dot_general3A_87 : vector<1000x192xf32>
    %slice3A_89 = vector.extract_strided_slice %get3A_12 {offsets = [0, 7], sizes = [1000, 1], strides = [1, 1]} : vector<1000x8xf32> to vector<1000x1xf32>
    %mul3A_90 = vector.broadcast %slice3A_89 : vector<1000x1xf32> to vector<1000x128xf32>
    %mul3A_91 = arith.mulf %get3A_1, %mul3A_90 : vector<1000x128xf32>
    %get3A_92 = arith.constant 7 : index
    %get3A_93 = arith.constant 0 : index
    %get3A_94 = arith.constant 0 : index
    %get3A_95 = vector.load %arg4[%get3A_92, %get3A_93, %get3A_94] : memref<8x128x192xf32, #tpu.memory_space<vmem>>, vector<1x128x192xf32>
    %get3A_96 = vector.shape_cast %get3A_95 : vector<1x128x192xf32> to vector<128x192xf32>
    %dot_general3A_97 = arith.constant dense<0.000000e+00> : vector<1000x192xf32>
    %dot_general3A_98 = tpu.matmul %mul3A_91, %get3A_96, %dot_general3A_97 {dimension_numbers = #tpu.dot_dimension_numbers<[1], [0], [0], [1], [0, 0, 1, 1], [], []>, transpose_lhs_hint = false} : vector<1000x128xf32>, vector<128x192xf32>, vector<1000x192xf32> -> vector<1000x192xf32>
    %add3A_99 = arith.addf %add3A_88, %dot_general3A_98 : vector<1000x192xf32>
    %mul3A_100 = arith.constant 3.125000e-02 : f32
    %mul3A_101 = vector.broadcast %mul3A_100 : f32 to vector<1000x192xf32>
    %mul3A_102 = arith.mulf %add3A_99, %mul3A_101 : vector<1000x192xf32>
    %swap3A_103 = arith.constant 0 : index
    %swap3A_104 = arith.constant 0 : index
    %swap3A_105 = vector.load %arg6[%swap3A_103, %swap3A_104] : memref<1000x192xf32, #tpu.memory_space<vmem>>, vector<1000x192xf32>
    tpu.vector_store %arg6[%swap3A_103, %swap3A_104], %mul3A_102 {strides = array<i32>} : memref<1000x192xf32, #tpu.memory_space<vmem>>, vector<1000x192xf32>,
    return
  }
  func.func @transform_0(%arg0: i32) -> (i32, i32) {
    %c0_i32 = arith.constant 0 : i32
    %c0_i32_0 = arith.constant 0 : i32
    return %arg0, %c0_i32 : i32, i32
  }
  func.func @transform_1(%arg0: i32) -> (i32, i32) {
    %c0_i32 = arith.constant 0 : i32
    %c0_i32_0 = arith.constant 0 : i32
    return %arg0, %c0_i32 : i32, i32
  }
  func.func @transform_2(%arg0: i32) -> (i32, i32) {
    %c0_i32 = arith.constant 0 : i32
    %c0_i32_0 = arith.constant 0 : i32
    %c0_i32_1 = arith.constant 0 : i32
    return %c0_i32, %c0_i32_0 : i32, i32
  }
  func.func @transform_3(%arg0: i32) -> (i32, i32, i32) {
    %c0_i32 = arith.constant 0 : i32
    %c0_i32_0 = arith.constant 0 : i32
    %c0_i32_1 = arith.constant 0 : i32
    %c0_i32_2 = arith.constant 0 : i32
    return %c0_i32, %c0_i32_0, %c0_i32_1 : i32, i32, i32
  }
  func.func @transform_4(%arg0: i32) -> (i32, i32) {
    %c0_i32 = arith.constant 0 : i32
    %c0_i32_0 = arith.constant 0 : i32
    return %arg0, %c0_i32 : i32, i32
  }
  func.func @transform_5(%arg0: i32) -> (i32, i32) {
    %c0_i32 = arith.constant 0 : i32
    %c0_i32_0 = arith.constant 0 : i32
    return %arg0, %c0_i32 : i32, i32
  }
}

module attributes {stable_mosaic.version = 14 : i64} {
  func.func @_msg_body(%arg0: i32, %arg1: memref<4000x8xf32, #tpu.memory_space<vmem>>, %arg2: memref<4000x4xf32, #tpu.memory_space<vmem>>, %arg3: memref<4000x128xf32, #tpu.memory_space<vmem>>, %arg4: memref<8x8xf32, #tpu.memory_space<vmem>>, %arg5: memref<8x256xf32, #tpu.memory_space<vmem>>, %arg6: memref<4000x512xf32, #tpu.memory_space<vmem>>) attributes {dimension_semantics = [#tpu.dimension_semantics<arbitrary>], iteration_bounds = array<i64: 80>, scalar_prefetch = 0 : i64, scratch_operands = 0 : i64, tpu.core_type = #tpu.core_type<tc>, window_params = [{transform_indices = @transform_0, window_bounds = array<i64: 4000, 8>}, {transform_indices = @transform_1, window_bounds = array<i64: 4000, 4>}, {transform_indices = @transform_2, window_bounds = array<i64: 4000, 128>}, {pipeline_mode = #tpu.pipeline_mode<synchronous>, transform_indices = @transform_3, window_bounds = array<i64: 8, 8>}, {pipeline_mode = #tpu.pipeline_mode<synchronous>, transform_indices = @transform_4, window_bounds = array<i64: 8, 256>}, {transform_indices = @transform_5, window_bounds = array<i64: 4000, 512>}]} {
    %get3A = arith.constant 0 : index
    %get3A_0 = arith.constant 0 : index
    %get3A_1 = vector.load %arg1[%get3A, %get3A_0] : memref<4000x8xf32, #tpu.memory_space<vmem>>, vector<4000x8xf32>
    %get3A_2 = arith.constant 0 : index
    %get3A_3 = arith.constant 0 : index
    %get3A_4 = vector.load %arg4[%get3A_2, %get3A_3] : memref<8x8xf32, #tpu.memory_space<vmem>>, vector<8x8xf32>
    %dot_general3A = arith.constant dense<0.000000e+00> : vector<4000x8xf32>
    %dot_general3A_5 = tpu.matmul %get3A_1, %get3A_4, %dot_general3A {dimension_numbers = #tpu.dot_dimension_numbers<[1], [0], [0], [1], [0, 0, 1, 1], [], []>, transpose_lhs_hint = false} : vector<4000x8xf32>, vector<8x8xf32>, vector<4000x8xf32> -> vector<4000x8xf32>
    %mul3A = arith.constant 0.353553385 : f32
    %mul3A_6 = vector.broadcast %mul3A : f32 to vector<4000x8xf32>
    %mul3A_7 = arith.mulf %dot_general3A_5, %mul3A_6 : vector<4000x8xf32>
    %logistic3A = arith.negf %mul3A_7 : vector<4000x8xf32>
    %logistic3A_8 = math.exp %logistic3A : vector<4000x8xf32>
    %logistic3A_9 = arith.constant 1.000000e+00 : f32
    %logistic3A_10 = vector.broadcast %logistic3A_9 : f32 to vector<4000x8xf32>
    %logistic3A_11 = arith.addf %logistic3A_10, %logistic3A_8 : vector<4000x8xf32>
    %logistic3A_12 = arith.divf %logistic3A_10, %logistic3A_11 : vector<4000x8xf32>
    %mul3A_13 = arith.mulf %mul3A_7, %logistic3A_12 : vector<4000x8xf32>
    %get3A_14 = arith.constant 0 : index
    %get3A_15 = arith.constant 0 : index
    %get3A_16 = vector.load %arg5[%get3A_14, %get3A_15] : memref<8x256xf32, #tpu.memory_space<vmem>>, vector<8x256xf32>
    %dot_general3A_17 = arith.constant dense<0.000000e+00> : vector<4000x256xf32>
    %dot_general3A_18 = tpu.matmul %mul3A_13, %get3A_16, %dot_general3A_17 {dimension_numbers = #tpu.dot_dimension_numbers<[1], [0], [0], [1], [0, 0, 1, 1], [], []>, transpose_lhs_hint = false} : vector<4000x8xf32>, vector<8x256xf32>, vector<4000x256xf32> -> vector<4000x256xf32>
    %mul3A_19 = arith.constant 0.353553385 : f32
    %mul3A_20 = vector.broadcast %mul3A_19 : f32 to vector<4000x256xf32>
    %mul3A_21 = arith.mulf %dot_general3A_18, %mul3A_20 : vector<4000x256xf32>
    %get3A_22 = arith.constant 0 : index
    %get3A_23 = arith.constant 0 : index
    %get3A_24 = vector.load %arg3[%get3A_22, %get3A_23] : memref<4000x128xf32, #tpu.memory_space<vmem>>, vector<4000x128xf32>
    %slice3A = vector.extract_strided_slice %mul3A_21 {offsets = [0, 0], sizes = [4000, 128], strides = [1, 1]} : vector<4000x256xf32> to vector<4000x128xf32>
    %slice3A_25 = vector.extract_strided_slice %mul3A_21 {offsets = [0, 128], sizes = [4000, 128], strides = [1, 1]} : vector<4000x256xf32> to vector<4000x128xf32>
    %get3A_26 = arith.constant 0 : index
    %get3A_27 = arith.constant 0 : index
    %get3A_28 = vector.load %arg2[%get3A_26, %get3A_27] : memref<4000x4xf32, #tpu.memory_space<vmem>>, vector<4000x4xf32>
    %mul3A_29 = arith.mulf %get3A_24, %slice3A : vector<4000x128xf32>
    %slice3A_30 = vector.extract_strided_slice %get3A_28 {offsets = [0, 0], sizes = [4000, 1], strides = [1, 1]} : vector<4000x4xf32> to vector<4000x1xf32>
    %mul3A_31 = vector.broadcast %slice3A_30 : vector<4000x1xf32> to vector<4000x128xf32>
    %mul3A_32 = arith.mulf %mul3A_29, %mul3A_31 : vector<4000x128xf32>
    %swap3A = arith.constant 0 : index
    %swap3A_33 = arith.constant 0 : index
    %swap3A_34 = vector.load %arg6[%swap3A, %swap3A_33] : memref<4000x512xf32, #tpu.memory_space<vmem>>, vector<4000x128xf32>
    tpu.vector_store %arg6[%swap3A, %swap3A_33], %mul3A_32 {strides = array<i32>} : memref<4000x512xf32, #tpu.memory_space<vmem>>, vector<4000x128xf32>,
    %mul3A_35 = arith.mulf %get3A_24, %slice3A_25 : vector<4000x128xf32>
    %slice3A_36 = vector.extract_strided_slice %get3A_28 {offsets = [0, 1], sizes = [4000, 1], strides = [1, 1]} : vector<4000x4xf32> to vector<4000x1xf32>
    %mul3A_37 = vector.broadcast %slice3A_36 : vector<4000x1xf32> to vector<4000x128xf32>
    %mul3A_38 = arith.mulf %mul3A_35, %mul3A_37 : vector<4000x128xf32>
    %swap3A_39 = arith.constant 0 : index
    %swap3A_40 = arith.constant 128 : index
    %swap3A_41 = vector.load %arg6[%swap3A_39, %swap3A_40] : memref<4000x512xf32, #tpu.memory_space<vmem>>, vector<4000x128xf32>
    tpu.vector_store %arg6[%swap3A_39, %swap3A_40], %mul3A_38 {strides = array<i32>} : memref<4000x512xf32, #tpu.memory_space<vmem>>, vector<4000x128xf32>,
    %slice3A_42 = vector.extract_strided_slice %get3A_28 {offsets = [0, 2], sizes = [4000, 1], strides = [1, 1]} : vector<4000x4xf32> to vector<4000x1xf32>
    %mul3A_43 = vector.broadcast %slice3A_42 : vector<4000x1xf32> to vector<4000x128xf32>
    %mul3A_44 = arith.mulf %mul3A_35, %mul3A_43 : vector<4000x128xf32>
    %swap3A_45 = arith.constant 0 : index
    %swap3A_46 = arith.constant 256 : index
    %swap3A_47 = vector.load %arg6[%swap3A_45, %swap3A_46] : memref<4000x512xf32, #tpu.memory_space<vmem>>, vector<4000x128xf32>
    tpu.vector_store %arg6[%swap3A_45, %swap3A_46], %mul3A_44 {strides = array<i32>} : memref<4000x512xf32, #tpu.memory_space<vmem>>, vector<4000x128xf32>,
    %slice3A_48 = vector.extract_strided_slice %get3A_28 {offsets = [0, 3], sizes = [4000, 1], strides = [1, 1]} : vector<4000x4xf32> to vector<4000x1xf32>
    %mul3A_49 = vector.broadcast %slice3A_48 : vector<4000x1xf32> to vector<4000x128xf32>
    %mul3A_50 = arith.mulf %mul3A_35, %mul3A_49 : vector<4000x128xf32>
    %swap3A_51 = arith.constant 0 : index
    %swap3A_52 = arith.constant 384 : index
    %swap3A_53 = vector.load %arg6[%swap3A_51, %swap3A_52] : memref<4000x512xf32, #tpu.memory_space<vmem>>, vector<4000x128xf32>
    tpu.vector_store %arg6[%swap3A_51, %swap3A_52], %mul3A_50 {strides = array<i32>} : memref<4000x512xf32, #tpu.memory_space<vmem>>, vector<4000x128xf32>,
    return
  }
  func.func @transform_0(%arg0: i32) -> (i32, i32) {
    %c0_i32 = arith.constant 0 : i32
    %c0_i32_0 = arith.constant 0 : i32
    return %arg0, %c0_i32 : i32, i32
  }
  func.func @transform_1(%arg0: i32) -> (i32, i32) {
    %c0_i32 = arith.constant 0 : i32
    %c0_i32_0 = arith.constant 0 : i32
    return %arg0, %c0_i32 : i32, i32
  }
  func.func @transform_2(%arg0: i32) -> (i32, i32) {
    %c0_i32 = arith.constant 0 : i32
    %c0_i32_0 = arith.constant 0 : i32
    return %arg0, %c0_i32 : i32, i32
  }
  func.func @transform_3(%arg0: i32) -> (i32, i32) {
    %c0_i32 = arith.constant 0 : i32
    %c0_i32_0 = arith.constant 0 : i32
    %c0_i32_1 = arith.constant 0 : i32
    return %c0_i32, %c0_i32_0 : i32, i32
  }
  func.func @transform_4(%arg0: i32) -> (i32, i32) {
    %c0_i32 = arith.constant 0 : i32
    %c0_i32_0 = arith.constant 0 : i32
    %c0_i32_1 = arith.constant 0 : i32
    return %c0_i32, %c0_i32_0 : i32, i32
  }
  func.func @transform_5(%arg0: i32) -> (i32, i32) {
    %c0_i32 = arith.constant 0 : i32
    %c0_i32_0 = arith.constant 0 : i32
    return %arg0, %c0_i32 : i32, i32
  }
}

module attributes {stable_mosaic.version = 14 : i64} {
  func.func @_post_body(%arg0: i32, %arg1: memref<1000x512xf32, #tpu.memory_space<vmem>>, %arg2: memref<1000x192xf32, #tpu.memory_space<vmem>>, %arg3: memref<128x192xf32, #tpu.memory_space<vmem>>, %arg4: memref<128x64xf32, #tpu.memory_space<vmem>>, %arg5: memref<1000x320xf32, #tpu.memory_space<vmem>>) attributes {dimension_semantics = [#tpu.dimension_semantics<arbitrary>], iteration_bounds = array<i64: 10>, scalar_prefetch = 0 : i64, scratch_operands = 0 : i64, tpu.core_type = #tpu.core_type<tc>, window_params = [{transform_indices = @transform_0, window_bounds = array<i64: 1000, 512>}, {transform_indices = @transform_1, window_bounds = array<i64: 1000, 192>}, {pipeline_mode = #tpu.pipeline_mode<synchronous>, transform_indices = @transform_2, window_bounds = array<i64: 128, 192>}, {pipeline_mode = #tpu.pipeline_mode<synchronous>, transform_indices = @transform_3, window_bounds = array<i64: 128, 64>}, {transform_indices = @transform_4, window_bounds = array<i64: 1000, 320>}]} {
    %get3A = arith.constant 0 : index
    %get3A_0 = arith.constant 0 : index
    %get3A_1 = vector.load %arg1[%get3A, %get3A_0] : memref<1000x512xf32, #tpu.memory_space<vmem>>, vector<1000x128xf32>
    %get3A_2 = arith.constant 0 : index
    %get3A_3 = arith.constant 0 : index
    %get3A_4 = vector.load %arg3[%get3A_2, %get3A_3] : memref<128x192xf32, #tpu.memory_space<vmem>>, vector<128x192xf32>
    %dot_general3A = arith.constant dense<0.000000e+00> : vector<1000x192xf32>
    %dot_general3A_5 = tpu.matmul %get3A_1, %get3A_4, %dot_general3A {dimension_numbers = #tpu.dot_dimension_numbers<[1], [0], [0], [1], [0, 0, 1, 1], [], []>, transpose_lhs_hint = false} : vector<1000x128xf32>, vector<128x192xf32>, vector<1000x192xf32> -> vector<1000x192xf32>
    %mul3A = arith.constant 0.0883883461 : f32
    %mul3A_6 = vector.broadcast %mul3A : f32 to vector<1000x192xf32>
    %mul3A_7 = arith.mulf %dot_general3A_5, %mul3A_6 : vector<1000x192xf32>
    %get3A_8 = arith.constant 0 : index
    %get3A_9 = arith.constant 0 : index
    %get3A_10 = vector.load %arg2[%get3A_8, %get3A_9] : memref<1000x192xf32, #tpu.memory_space<vmem>>, vector<1000x192xf32>
    %add3A = arith.addf %mul3A_7, %get3A_10 : vector<1000x192xf32>
    %slice3A = vector.extract_strided_slice %add3A {offsets = [0, 0], sizes = [1000, 128], strides = [1, 1]} : vector<1000x192xf32> to vector<1000x128xf32>
    %logistic3A = arith.negf %slice3A : vector<1000x128xf32>
    %logistic3A_11 = math.exp %logistic3A : vector<1000x128xf32>
    %logistic3A_12 = arith.constant 1.000000e+00 : f32
    %logistic3A_13 = vector.broadcast %logistic3A_12 : f32 to vector<1000x128xf32>
    %logistic3A_14 = arith.addf %logistic3A_13, %logistic3A_11 : vector<1000x128xf32>
    %logistic3A_15 = arith.divf %logistic3A_13, %logistic3A_14 : vector<1000x128xf32>
    %mul3A_16 = arith.mulf %slice3A, %logistic3A_15 : vector<1000x128xf32>
    %swap3A = arith.constant 0 : index
    %swap3A_17 = arith.constant 0 : index
    %swap3A_18 = vector.load %arg5[%swap3A, %swap3A_17] : memref<1000x320xf32, #tpu.memory_space<vmem>>, vector<1000x128xf32>
    tpu.vector_store %arg5[%swap3A, %swap3A_17], %mul3A_16 {strides = array<i32>} : memref<1000x320xf32, #tpu.memory_space<vmem>>, vector<1000x128xf32>,
    %slice3A_19 = vector.extract_strided_slice %add3A {offsets = [0, 128], sizes = [1000, 64], strides = [1, 1]} : vector<1000x192xf32> to vector<1000x64xf32>
    %logistic3A_20 = arith.negf %slice3A_19 : vector<1000x64xf32>
    %logistic3A_21 = math.exp %logistic3A_20 : vector<1000x64xf32>
    %logistic3A_22 = arith.constant 1.000000e+00 : f32
    %logistic3A_23 = vector.broadcast %logistic3A_22 : f32 to vector<1000x64xf32>
    %logistic3A_24 = arith.addf %logistic3A_23, %logistic3A_21 : vector<1000x64xf32>
    %logistic3A_25 = arith.divf %logistic3A_23, %logistic3A_24 : vector<1000x64xf32>
    %mul3A_26 = arith.mulf %slice3A_19, %logistic3A_25 : vector<1000x64xf32>
    %get3A_27 = arith.constant 0 : index
    %get3A_28 = arith.constant 128 : index
    %get3A_29 = vector.load %arg1[%get3A_27, %get3A_28] : memref<1000x512xf32, #tpu.memory_space<vmem>>, vector<1000x128xf32>
    %get3A_30 = arith.constant 0 : index
    %get3A_31 = arith.constant 0 : index
    %get3A_32 = vector.load %arg4[%get3A_30, %get3A_31] : memref<128x64xf32, #tpu.memory_space<vmem>>, vector<128x64xf32>
    %dot_general3A_33 = arith.constant dense<0.000000e+00> : vector<1000x64xf32>
    %dot_general3A_34 = tpu.matmul %get3A_29, %get3A_32, %dot_general3A_33 {dimension_numbers = #tpu.dot_dimension_numbers<[1], [0], [0], [1], [0, 0, 1, 1], [], []>, transpose_lhs_hint = false} : vector<1000x128xf32>, vector<128x64xf32>, vector<1000x64xf32> -> vector<1000x64xf32>
    %mul3A_35 = arith.constant 0.0883883461 : f32
    %mul3A_36 = vector.broadcast %mul3A_35 : f32 to vector<1000x64xf32>
    %mul3A_37 = arith.mulf %dot_general3A_34, %mul3A_36 : vector<1000x64xf32>
    %mul3A_38 = arith.mulf %mul3A_37, %mul3A_26 : vector<1000x64xf32>
    %swap3A_39 = arith.constant 0 : index
    %swap3A_40 = arith.constant 128 : index
    %swap3A_41 = vector.load %arg5[%swap3A_39, %swap3A_40] : memref<1000x320xf32, #tpu.memory_space<vmem>>, vector<1000x64xf32>
    tpu.vector_store %arg5[%swap3A_39, %swap3A_40], %mul3A_38 {strides = array<i32>} : memref<1000x320xf32, #tpu.memory_space<vmem>>, vector<1000x64xf32>,
    %get3A_42 = arith.constant 0 : index
    %get3A_43 = arith.constant 256 : index
    %get3A_44 = vector.load %arg1[%get3A_42, %get3A_43] : memref<1000x512xf32, #tpu.memory_space<vmem>>, vector<1000x128xf32>
    %get3A_45 = arith.constant 0 : index
    %get3A_46 = arith.constant 0 : index
    %get3A_47 = vector.load %arg4[%get3A_45, %get3A_46] : memref<128x64xf32, #tpu.memory_space<vmem>>, vector<128x64xf32>
    %dot_general3A_48 = arith.constant dense<0.000000e+00> : vector<1000x64xf32>
    %dot_general3A_49 = tpu.matmul %get3A_44, %get3A_47, %dot_general3A_48 {dimension_numbers = #tpu.dot_dimension_numbers<[1], [0], [0], [1], [0, 0, 1, 1], [], []>, transpose_lhs_hint = false} : vector<1000x128xf32>, vector<128x64xf32>, vector<1000x64xf32> -> vector<1000x64xf32>
    %mul3A_50 = arith.constant 0.0883883461 : f32
    %mul3A_51 = vector.broadcast %mul3A_50 : f32 to vector<1000x64xf32>
    %mul3A_52 = arith.mulf %dot_general3A_49, %mul3A_51 : vector<1000x64xf32>
    %mul3A_53 = arith.mulf %mul3A_52, %mul3A_26 : vector<1000x64xf32>
    %swap3A_54 = arith.constant 0 : index
    %swap3A_55 = arith.constant 192 : index
    %swap3A_56 = vector.load %arg5[%swap3A_54, %swap3A_55] : memref<1000x320xf32, #tpu.memory_space<vmem>>, vector<1000x64xf32>
    tpu.vector_store %arg5[%swap3A_54, %swap3A_55], %mul3A_53 {strides = array<i32>} : memref<1000x320xf32, #tpu.memory_space<vmem>>, vector<1000x64xf32>,
    %get3A_57 = arith.constant 0 : index
    %get3A_58 = arith.constant 384 : index
    %get3A_59 = vector.load %arg1[%get3A_57, %get3A_58] : memref<1000x512xf32, #tpu.memory_space<vmem>>, vector<1000x128xf32>
    %get3A_60 = arith.constant 0 : index
    %get3A_61 = arith.constant 0 : index
    %get3A_62 = vector.load %arg4[%get3A_60, %get3A_61] : memref<128x64xf32, #tpu.memory_space<vmem>>, vector<128x64xf32>
    %dot_general3A_63 = arith.constant dense<0.000000e+00> : vector<1000x64xf32>
    %dot_general3A_64 = tpu.matmul %get3A_59, %get3A_62, %dot_general3A_63 {dimension_numbers = #tpu.dot_dimension_numbers<[1], [0], [0], [1], [0, 0, 1, 1], [], []>, transpose_lhs_hint = false} : vector<1000x128xf32>, vector<128x64xf32>, vector<1000x64xf32> -> vector<1000x64xf32>
    %mul3A_65 = arith.constant 0.0883883461 : f32
    %mul3A_66 = vector.broadcast %mul3A_65 : f32 to vector<1000x64xf32>
    %mul3A_67 = arith.mulf %dot_general3A_64, %mul3A_66 : vector<1000x64xf32>
    %mul3A_68 = arith.mulf %mul3A_67, %mul3A_26 : vector<1000x64xf32>
    %swap3A_69 = arith.constant 0 : index
    %swap3A_70 = arith.constant 256 : index
    %swap3A_71 = vector.load %arg5[%swap3A_69, %swap3A_70] : memref<1000x320xf32, #tpu.memory_space<vmem>>, vector<1000x64xf32>
    tpu.vector_store %arg5[%swap3A_69, %swap3A_70], %mul3A_68 {strides = array<i32>} : memref<1000x320xf32, #tpu.memory_space<vmem>>, vector<1000x64xf32>,
    return
  }
  func.func @transform_0(%arg0: i32) -> (i32, i32) {
    %c0_i32 = arith.constant 0 : i32
    %c0_i32_0 = arith.constant 0 : i32
    return %arg0, %c0_i32 : i32, i32
  }
  func.func @transform_1(%arg0: i32) -> (i32, i32) {
    %c0_i32 = arith.constant 0 : i32
    %c0_i32_0 = arith.constant 0 : i32
    return %arg0, %c0_i32 : i32, i32
  }
  func.func @transform_2(%arg0: i32) -> (i32, i32) {
    %c0_i32 = arith.constant 0 : i32
    %c0_i32_0 = arith.constant 0 : i32
    %c0_i32_1 = arith.constant 0 : i32
    return %c0_i32, %c0_i32_0 : i32, i32
  }
  func.func @transform_3(%arg0: i32) -> (i32, i32) {
    %c0_i32 = arith.constant 0 : i32
    %c0_i32_0 = arith.constant 0 : i32
    %c0_i32_1 = arith.constant 0 : i32
    return %c0_i32, %c0_i32_0 : i32, i32
  }
  func.func @transform_4(%arg0: i32) -> (i32, i32) {
    %c0_i32 = arith.constant 0 : i32
    %c0_i32_0 = arith.constant 0 : i32
    return %arg0, %c0_i32 : i32, i32
  }
}

</mosaic_0001>

<sc_bundles>
// kernel: kernel.10.cloned.1.call-start
scs
__scs_entry_jumppad:
0x0: {  	(pc) =	sbr.rel $0x88, $3  }
0x1: {  	(tag) =	ssettag $0x0;
	lr =	simm.s32 $0x1  }
0x2: {  	[smem:$0x3F96] =	sst lr;
	_ =	strace $0xD0000000  }
0x3: {  	_ = 	snop  }
0x4: {  	_ = 	snop  }
0x5: {  	_ = 	snop  }
0x6: {  	_ = 	snop  }
0x7: {  	_ = 	snop  }
__scs_overlays_trampoline_lowered:
0x8: {  	[smem:$0x3FA5] =	sst s0  }
0x9: {  	[smem:$0x3FA6] =	sst s1  }
0xa: {  	[smem:$0x3FA7] =	sst s2  }
0xb: {  	[smem:$0x3FA8] =	sst s3  }
0xc: {  	[smem:$0x3FA9] =	sst s4  }
0xd: {  	[smem:$0x3FAA] =	sst s5  }
0xe: {  	[smem:$0x3FAB] =	sst s6  }
0xf: {  	[smem:$0x3FAC] =	sst s7  }
0x10: {  	[smem:$0x3FAD] =	sst s8  }
0x11: {  	[smem:$0x3FAE] =	sst s9;
	s0 =	simm.s32 @!p0 $0x0  }
0x12: {  	s1 =	sld [smem:$0x3F94];
	s0 =	simm.s32 @p0 $0x1  }
0x13: {  	[smem:$0x3FAF] =	sst s0;
	s0 =	simm.s32 @!p1 $0x0  }
0x14: {  	s2 =	sld [smem:$0x3F93];
	s0 =	simm.s32 @p1 $0x1  }
0x15: {  	[smem:$0x3FB0] =	sst s0;
	s0 =	simm.s32 @!p2 $0x0  }
0x16: {  	s3 =	sld [smem:$0x3FDB];
	s0 =	simm.s32 @p2 $0x1  }
0x17: {  	s4 =	simm.s32 $0x1BF5;
	[smem:$0x3FB2] =	sst s0  }
0x18: {  	s0 =	sld [smem:$0x3F95];
	_ =	swait.ge [sflag:s4], $0x0  }
0x19: {  	s7 =	sld [smem:$0x3F96]  }
0x1a: {  	s8 =	sadd.s32 $0xFFFFE003, lr  }
0x1b: {  	s9 =	sadd.s32 $0xFFFFFEF7, lr;
	s5 =	simm.s32 $0xFFFFFFFF;
	p2 =	slt.u32 s8, $0xFFFFF086  }
0x1c: {  	p1 =	slt.u32 s9, $0xF7A;
	s5 =	simm.s32 @!p2 $0x0  }
0x1d: {  	s5 =	simm.s32 @p1 $0x1;
	p0 =	seq.s32 s7, s2  }
0x1e: {  	s7 =	smul.u32 @!p0 $0xF7A, s2;
	p2 =	seq.s32 @!p0 s5, $0x0  }
0x1f: {  	s9 =	smul.u32 $0xF7A, s1;
	s8 =	simm.s32 @!p0 $0x1BF5;
	p2 =	por !p2, p0  }
0x20: {  	[sflag:s8] =	ssyncset.s32 @!p0 $0xFFFFF086;
	s6 =	sadd.s32 @!p0 s3, s7;
	s7 =	simm.s32 @!p0 $0x108  }
0x21: {  	s3 =	sadd.s32 s3, s9;
	s6 =	sadd.s32 @!p0 $0x88, s6;
	s7 =	simm.s32 @p2 $0x1082  }
0x22: {  	[simem:s7], [sflag:s8] =	dma.local @!p0 [hbm:s6], $0xF7A  }
0x23: {  	s9 =	sor.u32 $0xD0000000, s2;
	s6 =	simm.s32 $0x108;
	_ =	swait.ge @!p0 [sflag:s8], $0x0  }
0x24: {  	s3 =	sadd.s32 $0x88, s3;
	s6 =	simm.s32 @!p1 $0x1082;
	[sflag:s4] =	ssyncset.s32 $0xFFFFF086  }
0x25: {  	[simem:s6], [sflag:s4] =	dma.local [hbm:s3], $0xF7A  }
0x26: {  	[smem:$0x3F96] =	sst s1;
	(tag) =	ssettag s2;
	_ =	strace s9  }
0x27: {  	s1 =	sld [smem:$0x3FA6]  }
0x28: {  	s2 =	sld [smem:$0x3FA7]  }
0x29: {  	s4 =	sld [smem:$0x3FA9]  }
0x2a: {  	p0 =	seq.s32 s5, $0x0;
	s5 =	sld [smem:$0x3FAA]  }
0x2b: {  	s6 =	sld [smem:$0x3FAB]  }
0x2c: {  	s7 =	sld [smem:$0x3FAC]  }
0x2d: {  	s3 =	simm.s32 $0x108;
	s8 =	sld [smem:$0x3FAD]  }
0x2e: {  	s3 =	simm.s32 @!p0 $0x1082;
	s9 =	sld [smem:$0x3FAE]  }
0x2f: {  	lr =	sadd.s32 s0, s3;
	s0 =	sld [smem:$0x3FA5]  }
0x30: {  	s3 =	sld [smem:$0x3FA8]  }
0x31: {  	[smem:$0x3FB1] =	sst s10  }
0x32: {  	s10 =	sld [smem:$0x3FAF];
	_ =	sdelay $0x3  }
0x33: {  	p0 =	seq.s32 s10, $0x1;
	s10 =	sld [smem:$0x3FB1];
	_ =	sdelay $0x3  }
0x34: {  	[smem:$0x3FB1] =	sst s10  }
0x35: {  	s10 =	sld [smem:$0x3FB0];
	_ =	sdelay $0x3  }
0x36: {  	p1 =	seq.s32 s10, $0x1;
	s10 =	sld [smem:$0x3FB1];
	_ =	sdelay $0x3  }
0x37: {  	[smem:$0x3FB1] =	sst s10  }
0x38: {  	s10 =	sld [smem:$0x3FB2]  }
0x39: {  	_ = 	snop;
	(pc) =	sbr.ind lr, $3  }
0x3a: {  	_ = 	snop  }
0x3b: {  	_ = 	snop  }
0x3c: {  	p2 =	seq.s32 s10, $0x1;
	s10 =	sld [smem:$0x3FB1]  }
0x3d: {  	_ =	shalt  }
0x3e: {  	_ =	shalt  }
0x3f: {  	_ =	shalt  }
0x40: {  	_ =	shalt  }
0x41: {  	_ =	shalt  }
0x42: {  	_ =	shalt  }
0x43: {  	_ =	shalt  }
0x44: {  	_ =	shalt  }
0x45: {  	_ =	shalt  }
0x46: {  	_ =	shalt  }
0x47: {  	_ =	shalt  }
0x48: {  	_ =	shalt  }
0x49: {  	_ =	shalt  }
0x4a: {  	_ =	shalt  }
0x4b: {  	_ =	shalt  }
0x4c: {  	_ =	shalt  }
0x4d: {  	_ =	shalt  }
0x4e: {  	_ =	shalt  }
0x4f: {  	_ =	shalt  }
0x50: {  	_ =	shalt  }
0x51: {  	_ =	shalt  }
0x52: {  	_ =	shalt  }
0x53: {  	_ =	shalt  }
0x54: {  	_ =	shalt  }
0x55: {  	_ =	shalt  }
0x56: {  	_ =	shalt  }
0x57: {  	_ =	shalt  }
0x58: {  	_ =	shalt  }
0x59: {  	_ =	shalt  }
0x5a: {  	_ =	shalt  }
0x5b: {  	_ =	shalt  }
0x5c: {  	_ =	shalt  }
0x5d: {  	_ =	shalt  }
0x5e: {  	_ =	shalt  }
0x5f: {  	_ =	shalt  }
0x60: {  	_ =	shalt  }
0x61: {  	_ =	shalt  }
0x62: {  	_ =	shalt  }
0x63: {  	_ =	shalt  }
0x64: {  	_ =	shalt  }
0x65: {  	_ =	shalt  }
0x66: {  	_ =	shalt  }
0x67: {  	_ =	shalt  }
0x68: {  	_ =	shalt  }
0x69: {  	_ =	shalt  }
0x6a: {  	_ =	shalt  }
0x6b: {  	_ =	shalt  }
0x6c: {  	_ =	shalt  }
0x6d: {  	_ =	shalt  }
0x6e: {  	_ =	shalt  }
0x6f: {  	_ =	shalt  }
0x70: {  	_ =	shalt  }
0x71: {  	_ =	shalt  }
0x72: {  	_ =	shalt  }
0x73: {  	_ =	shalt  }
0x74: {  	_ =	shalt  }
0x75: {  	_ =	shalt  }
0x76: {  	_ =	shalt  }
0x77: {  	_ =	shalt  }
0x78: {  	_ =	shalt  }
0x79: {  	_ =	shalt  }
0x7a: {  	_ =	shalt  }
0x7b: {  	_ =	shalt  }
0x7c: {  	_ =	shalt  }
0x7d: {  	_ =	shalt  }
0x7e: {  	_ =	shalt  }
0x7f: {  	_ =	shalt  }
0x80: {  	_ =	shalt  }
0x81: {  	_ =	shalt  }
0x82: {  	_ =	shalt  }
0x83: {  	_ =	shalt  }
0x84: {  	_ =	shalt  }
0x85: {  	_ =	shalt  }
0x86: {  	_ =	shalt  }
0x87: {  	_ =	shalt  }
.Lfunc_end0:
.L_simem_size_0:
called_computation.1_lowered:
.L_overlay_start_0:
0x88: {  	s2 =	sld [smem:$0x3FD9]  }
0x89: {  	s3 =	sld [smem:$0x3FFE];
	_ =	sdelay $0x1  }
0x8a: {  	s1 =	srdreg.scid  }
0x8b: {  	s0 =	sand.u32 $0x1, s1  }
0x8c: {  	s16 =	sshll.u32 s0, $0xA;
	s2 =	sadd.s32 s3, s2  }
0x8d: {  	s2 =	sadd.s32 s2, s16  }
0x8e: {  	[smem:$0x3FBD] =	sst s2  }
0x8f: {  	_ = 	snop  }
0x90: {  	(tm) =	ssettm $0x1  }
0x91: {  	s17 =	sld [smem:$0x3FFB];
	_ =	sdelay $0x3  }
0x92: {  	_ =	strace s17  }
0x93: {  	s2 =	sld [smem:$0x3FFC];
	_ =	sdelay $0x3  }
0x94: {  	_ =	strace s2  }
0x95: {  	s2 =	sld [smem:$0x3FFD];
	_ =	sdelay $0x3  }
0x96: {  	_ =	strace s2  }
0x97: {  	_ =	strace $0x8FFFFFFF  }
0x98: {  	s18 =	sld [smem:$0x3FDB];
	_ =	sdelay $0x1  }
0x99: {  	s19 =	simm.s32 $_scs_section_size  }
0x9a: {  	s4 =	simm.s32 $_size__tile_overlayer_lowered;
	s5 =	simm.s32 $_tile_overlayer_lowered  }
0x9b: {  	s22 =	simm.s32 $0x1BFF;
	s21 =	sshll.u32 s5, $0x1;
	s2 =	sadd.s32 s19, s18  }
0x9c: {  	s6 =	simm.s32 $0x0;
	s20 =	sshll.u32 s4, $0x1;
	s4 =	sadd.s32 s21, s2  }
0x9d: {  	[timem:s6], [sflag:s22] =	dma.local [hbm:s4], s20  }
0x9e: {  	_ =	swait.ge [sflag:s22], s20  }
0x9f: {  	s3 =	ssub.s32 $0x0, s20;
	[sflag:s22] =	ssyncset.done $0x0  }
0xa0: {  	[sflag:s22] =	ssyncadd.s32 s3;
	_ =	sdelay $0x1  }
0xa1: {  	s23 =	simm.s32 $0x1B8B  }
0xa2: {  	_ =	swait.ge [sflag:s23], $0x1  }
0xa3: {  	[sflag:s23] =	ssyncset.done $0x0  }
0xa4: {  	s25 =	simm.s32 $0x1B8E;
	s24 =	sld [smem:$0x3FFE];
	[sflag:s23] =	ssyncadd.s32 $0xFFFFFFFF  }
0xa5: {  	s26 =	simm.s32 $execute0_lowered;
	[smem:$0x3FD2] =	sst s25  }
0xa6: {  	s4 =	sshll.u32 s26, $0x1;
	_ =	strace $0x80000049;
	[dreg:$0x1] =	wrdreg $0xFFFFFFFF  }
0xa7: {  	s28 =	simm.s32 $_size_execute0_lowered;
	s2 =	sadd.s32 s2, s4;
	[dreg:$0x0] =	wrdreg $0x0  }
0xa8: {  	s4 =	sshll.u32 s28, $0x1;
	[dreg:$0x2] =	wrdreg s2  }
0xa9: {  	[dreg:$0x3] =	wrdreg s4  }
0xaa: {  	[dreg:$0x4] =	wrdreg $0xC0  }
0xab: {  	_ =	task [dreg:s6], $0x5FFFF  }
0xac: {  	[dreg:$0x1] =	wrdreg $0xFFFFFFFF  }
0xad: {  	[dreg:$0x0] =	wrdreg $0x60  }
0xae: {  	[dreg:$0x2] =	wrdreg s24  }
0xaf: {  	[dreg:$0x3] =	wrdreg $0x51000  }
0xb0: {  	[dreg:$0x4] =	wrdreg $0x9  }
0xb1: {  	_ =	task.clear_ibuf [dreg:s6], $0x5FFFF;
	_ =	strace $0x90000049  }
0xb2: {  	s29 =	simm.s32 $0x9;
	_ =	strace $0x8000004B  }
0xb3: {  	_ =	swait.ge [sflag:s29], $0x1  }
0xb4: {  	[sflag:s29] =	ssyncadd.s32 $0xFFFFFFFF  }
0xb5: {  	_ =	strace $0x9000004B  }
0xb6: {  	_ =	sfence  }
0xb7: {  	s30 =	sld [smem:$0x0];
	_ =	sdelay $0x2  }
0xb8: {  	s31 =	sshll.u32 s1, $0xD;
	s1 =	sshrl.u32 s1, $0x2  }
0xb9: {  	s3 =	sand.u32 $0x4000, s31;
	s1 =	sadd.s32 s1, s30  }
0xba: {  	s0 =	sor.u32 s3, s0;
	s1 =	sshll.u32 s1, $0x11  }
0xbb: {  	s0 =	sor.u32 s1, s0  }
0xbc: {  	s0 =	sadd.s32 $0x8F2B, s0  }
0xbd: {  	[sflag:s0] =	ssyncadd.remote.s32 $0x1  }
0xbe: {  	_ =	sfence.sel $0xFFFF  }
0xbf: {  	[dreg:$0x0] =	wrdreg $0xFFFFFFFF;
	(pc) =	sbr.abs _section_cstart, $3  }
0xc0: {  	[dreg:$0x1] =	wrdreg $0xFFFFFFFF  }
0xc1: {  	_ =	task.clear_ibuf [dreg:s6], $0x2FFFF;
	_ =	strace $0x9FFFFFFF  }
0xc2: {  	(tm) =	ssettm $0x7FFFFFFF  }
0xc3: {  	_ =	shalt  }
tec
execute0_lowered:
.L_overlay_start_1:
0x0: {  	(tag) =	ssettag $0x1  }
0x1: {  	s0 =	rddreg [dreg:$0x0]  }
0x2: {  	s1 =	rddreg [dreg:$0x1];
	s3 =	simm.s32 $0x0;
	s10 =	stileid.u32  }
0x3: {  	s2 =	srdreg.scid;
	s28 =	simm.s32 $0x2900;
	s29 =	simm.s32 $0x5  }
0x4: {  	s30 =	simm.s32 $0x1;
	s31 =	simm.s32 $0x50;
	s5 =	smul.u32 $0x2800, s10  }
0x5: {  	[smem:$0x7FF] =	sst s3;
	s4 =	sadd.s32 $0xEF9200, s0;
	s9 =	smul.u32 $0x50000, s10  }
0x6: {  	s2 =	sand.u32 $0x1, s2;
	s6 =	sadd.s32 $0xEE9800, s0;
	s19 =	smul.u32 $0x7D00, s10  }
0x7: {  	s20 =	sshll.u32 s10, $0x8;
	s12 =	smul.u32 $0x9C4000, s10;
	s22 =	sshll.u32 s10, $0x6  }
0x8: {  	_ =	strace $0x8000004A;
	s7 =	ssub.s32 $0x2, s2;
	s2 =	sshll.u32 s2, $0xB  }
0x9: {  	s5 =	sadd.s32 s5, s0;
	s0 =	sadd.s32 $0x2A800, s0;
	s8 =	sshrl.u32 s7, $0x1  }
0xa: {  	s18 =	sshrl.u32 s9, $0x2;
	s21 =	sand.u32 $0x7FC00, s19;
	s13 =	sor.u32 s2, s12  }
0xb: {  	s14 =	sadd.s32 $0xA000, s12;
	s15 =	sor.u32 s2, s9;
	s19 =	smul.u32 $0xFA0, s10  }
0xc: {  	s11 =	ssub.s32 s7, s8;
	s7 =	sadd.s32 s18, s1;
	s16 =	sadd.s32 $0x2800, s5  }
0xd: {  	s5 =	sand.u32 $0x300, s20;
	s24 =	sshrl.u32 s13, $0x3;
	s26 =	sor.u32 s2, s14  }
0xe: {  	s2 =	sor.u32 $0x400, s2;
	s8 =	sshrl.u32 s15, $0x3;
	s17 =	sadd.s32 $0x1E000, s13  }
0xf: {  	[dreg:$0x3] =	wrdreg s7;
	s5 =	sor.u32 s5, s21;
	s7 =	sor.u32 $0x1C07, s22  }
0x10: {  	s12 =	sor.u32 s12, s2;
	s14 =	sor.u32 s2, s14;
	s2 =	sor.u32 s9, s2  }
0x11: {  	s18 =	sshrl.u32 s17, $0x3;
	s20 =	smax.u32 s11, $0x1;
	s21 =	sadd.s32 $0x14000, s13  }
0x12: {  	s22 =	sadd.s32 s19, s6;
	s9 =	simm.s32 $0x4;
	s5 =	sshrl.u32 s5, $0x3  }
0x13: {  	s12 =	sshrl.u32 s12, $0x3;
	s15 =	sshrl.u32 s14, $0x3;
	[dreg:$0xc] =	wrdreg s20  }
0x14: {  	s2 =	sshrl.u32 s2, $0x3;
	s17 =	sadd.s32 s18, s4;
	[dreg:$0xd] =	wrdreg s21  }
0x15: {  	s19 =	sadd.s32 $0x30, s22;
	s23 =	sadd.s32 s6, s5;
	s5 =	sadd.s32 s4, s24  }
0x16: {  	s22 =	simm.s32 $0x7;
	s24 =	sadd.s32 $0x14400, s13;
	[dreg:$0x5] =	wrdreg s5  }
0x17: {  	[dreg:$0x4] =	wrdreg s23;
	s25 =	sadd.s32 $0x10, s23;
	s5 =	sshrl.u32 s26, $0x3  }
0x18: {  	s23 =	sadd.s32 $0x1E400, s13;
	s26 =	sshrl.u32 s24, $0x3;
	s24 =	simm.s32 $0x1000  }
0x19: {  	s13 =	simm.s32 $0x0;
	[dreg:$0x6] =	wrdreg s25;
	s5 =	sadd.s32 s4, s5  }
0x1a: {  	s25 =	sshrl.u32 s23, $0x3;
	s21 =	sadd.s32 s26, s4;
	s23 =	simm.s32 $0x400  }
0x1b: {  	s26 =	simm.s32 $0x80;
	[dreg:$0x7] =	wrdreg s5;
	s5 =	sadd.s32 s0, s8  }
0x1c: {  	s0 =	sadd.s32 s0, s2;
	s20 =	sadd.s32 s25, s4;
	[dreg:$0x8] =	wrdreg s5  }
0x1d: {  	s25 =	simm.s32 $0x100;
	s5 =	sadd.s32 s4, s12;
	[dreg:$0xb] =	wrdreg s0  }
0x1e: {  	s2 =	simm.s32 $0x6;
	[dreg:$0x9] =	wrdreg s5;
	s5 =	sadd.s32 s4, s15  }
0x1f: {  	s0 =	simm.s32 $0x3;
	[dreg:$0xa] =	wrdreg s5;
	s5 =	simm.s32 $0x2  }
.LBB2_1:
0x20: {  	s6 =	rddreg [dreg:$0x3]  }
0x21: {  	s14 =	sshrl.u32 s6, $0x3  }
0x22: {  	[spmem:s14], [sflag:s7] =	dma.local [hbm:s16], $0x2800  }
0x23: {  	_ =	swait.ge [sflag:s22], $0x2800  }
0x24: {  	[sflag:s22] =	ssyncset.done $0x0  }
0x25: {  	[sflag:s22] =	ssyncadd.s32 $0xFFFFD800  }
0x26: {  	[bflag:$0x0] =	sbarrier.arrive $0xFFFF  }
0x27: {  	s10 =	rddreg [dreg:$0x4]  }
0x28: {  	[tilespmem:s3], [sflag:$0x5] =	stream.linear.gather [hbm4b:s10+s3], $0x80, $0x38;
	[tilespmem:$0x19100] =	vst v63  }
0x29: {  	s11 =	rddreg [dreg:$0x5]  }
0x2a: {  	[tilespmem:s25], [sflag:$0x1] =	stream.strided.gather [hbm4b:s11+s23], $0x2800, s24, s23, $0x38;
	[tilespmem:$0x19100] =	vst v63  }
0x2b: {  	s12 =	rddreg [dreg:$0x6]  }
0x2c: {  	[tilespmem:s26], [sflag:$0x6] =	stream.linear.gather [hbm4b:s12+s3], $0x80, $0x38;
	[tilespmem:$0x19100] =	vst v63  }
0x2d: {  	s15 =	rddreg [dreg:$0x7]  }
0x2e: {  	[tilespmem:s28], [sflag:$0x2] =	stream.strided.gather [hbm4b:s15+s23], $0x2800, s24, s23, $0x38;
	[tilespmem:$0x19100] =	vst v63  }
0x2f: {  	_ =	swait.ge [sflag:s29], $0x80  }
0x30: {  	[sflag:s29] =	ssyncset.done $0x0  }
0x31: {  	[sflag:s29] =	ssyncadd.s32 $0xFFFFFF80  }
0x32: {  	_ =	swait.ge [sflag:s30], $0x2800  }
0x33: {  	[sflag:s30] =	ssyncset.done $0x0  }
0x34: {  	[sflag:s30] =	ssyncadd.s32 $0xFFFFD800  }
0x35: {  	[spmem:s1] =	stream.indirect.scatter.add.f32 [tilespmem:s25], [sflag:$0x3], $0x80, s3, s31, $0xb8;
	[tilespmem:$0x19100] =	vst v63  }
0x36: {  	_ =	swait.ge [sflag:s0], $0x2800  }
0x37: {  	s18 =	smov.u32 s16;
	[sflag:s0] =	ssyncset.done $0x0;
	s8 =	rddreg [dreg:$0xd]  }
0x38: {  	s15 =	sadd.s32 $0xFFFFFFF0, s19;
	[sflag:s0] =	ssyncadd.s32 $0xFFFFD800;
	s16 =	sshrl.u32 s8, $0x3  }
0x39: {  	[tilespmem:s3], [sflag:$0x5] =	stream.linear.gather [hbm4b:s15+s3], $0x80, $0x38;
	[tilespmem:$0x19100] =	vst v63  }
0x3a: {  	s6 =	sadd.s32 s4, s16  }
0x3b: {  	[tilespmem:s25], [sflag:$0x1] =	stream.strided.gather [hbm4b:s6+s23], $0x2800, s24, s23, $0x38;
	[tilespmem:$0x19100] =	vst v63  }
0x3c: {  	_ =	swait.ge [sflag:s2], $0x80  }
0x3d: {  	[sflag:s2] =	ssyncset.done $0x0  }
0x3e: {  	[sflag:s2] =	ssyncadd.s32 $0xFFFFFF80  }
0x3f: {  	_ =	swait.ge [sflag:s5], $0x2800  }
0x40: {  	[sflag:s5] =	ssyncset.done $0x0  }
0x41: {  	[sflag:s5] =	ssyncadd.s32 $0xFFFFD800  }
0x42: {  	[spmem:s1] =	stream.indirect.scatter.add.f32 [tilespmem:s28], [sflag:$0x4], $0x80, s26, s31, $0xb8;
	[tilespmem:$0x19100] =	vst v63  }
0x43: {  	_ =	swait.ge [sflag:s9], $0x2800  }
0x44: {  	s12 =	sadd.s32 $0x20, s19;
	s11 =	sadd.s32 $0x14000, s8;
	[sflag:s9] =	ssyncset.done $0x0  }
0x45: {  	s16 =	simm.s32 $0x2800;
	s6 =	sadd.s32 $0x0, s17;
	[sflag:s9] =	ssyncadd.s32 $0xFFFFD800  }
0x46: {  	[tilespmem:s26], [sflag:$0x6] =	stream.linear.gather [hbm4b:s19+s3], $0x80, $0x38;
	[tilespmem:$0x19100] =	vst v63  }
.LBB2_2:
0x47: {  	[tilespmem:s28], [sflag:$0x2] =	stream.strided.gather [hbm4b:s6+s23], $0x2800, s24, s23, $0x38;
	[tilespmem:$0x19100] =	vst v63  }
0x48: {  	s6 =	smov.u32 s16  }
0x49: {  	p0 =	sne.s32 s16, $0x133800;
	s16 =	sadd.s32 $0x2800, s16;
	_ =	swait.ge [sflag:s29], $0x80  }
0x4a: {  	[sflag:s29] =	ssyncset.done $0x0  }
0x4b: {  	[sflag:s29] =	ssyncadd.s32 $0xFFFFFF80  }
0x4c: {  	_ =	swait.ge [sflag:s30], $0x2800  }
0x4d: {  	[sflag:s30] =	ssyncset.done $0x0  }
0x4e: {  	[sflag:s30] =	ssyncadd.s32 $0xFFFFD800  }
0x4f: {  	[spmem:s1] =	stream.indirect.scatter.add.f32 [tilespmem:s25], [sflag:$0x3], $0x80, s3, s31, $0xb8;
	[tilespmem:$0x19100] =	vst v63  }
0x50: {  	_ =	swait.ge [sflag:s0], $0x2800  }
0x51: {  	[sflag:s0] =	ssyncset.done $0x0  }
0x52: {  	s10 =	sadd.s32 $0xFFFFFFF0, s12;
	s8 =	sshrl.u32 s11, $0x3;
	[sflag:s0] =	ssyncadd.s32 $0xFFFFD800  }
0x53: {  	[tilespmem:s3], [sflag:$0x5] =	stream.linear.gather [hbm4b:s10+s3], $0x80, $0x38;
	[tilespmem:$0x19100] =	vst v63  }
0x54: {  	s8 =	sadd.s32 s4, s8  }
0x55: {  	[tilespmem:s25], [sflag:$0x1] =	stream.strided.gather [hbm4b:s8+s23], $0x2800, s24, s23, $0x38;
	[tilespmem:$0x19100] =	vst v63  }
0x56: {  	_ =	swait.ge [sflag:s2], $0x80  }
0x57: {  	[sflag:s2] =	ssyncset.done $0x0  }
0x58: {  	[sflag:s2] =	ssyncadd.s32 $0xFFFFFF80  }
0x59: {  	_ =	swait.ge [sflag:s5], $0x2800  }
0x5a: {  	[sflag:s5] =	ssyncset.done $0x0  }
0x5b: {  	[sflag:s5] =	ssyncadd.s32 $0xFFFFD800  }
0x5c: {  	[spmem:s1] =	stream.indirect.scatter.add.f32 [tilespmem:s28], [sflag:$0x4], $0x80, s26, s31, $0xb8;
	[tilespmem:$0x19100] =	vst v63  }
.Ltmp0:
0x5d: {  	_ =	swait.ge [sflag:s9], $0x2800;
	(pc) =	sbr.rel @p0 .LBB2_2-.Ltmp0, $4  }
0x5e: {  	[sflag:s9] =	ssyncset.done $0x0  }
0x5f: {  	[sflag:s9] =	ssyncadd.s32 $0xFFFFD800  }
0x60: {  	[tilespmem:s26], [sflag:$0x6] =	stream.linear.gather [hbm4b:s12+s3], $0x80, $0x38;
	[tilespmem:$0x19100] =	vst v63  }
0x61: {  	s11 =	sadd.s32 $0x14000, s11;
	s6 =	sadd.s32 s6, s17;
	s12 =	sadd.s32 $0x20, s12  }
0x62: {  	[tilespmem:s28], [sflag:$0x2] =	stream.strided.gather [hbm4b:s6+s23], $0x2800, s24, s23, $0x38;
	[tilespmem:$0x19100] =	vst v63  }
0x63: {  	_ =	swait.ge [sflag:s29], $0x80  }
0x64: {  	[sflag:s29] =	ssyncset.done $0x0  }
0x65: {  	[sflag:s29] =	ssyncadd.s32 $0xFFFFFF80  }
0x66: {  	_ =	swait.ge [sflag:s30], $0x2800  }
0x67: {  	[sflag:s30] =	ssyncset.done $0x0  }
0x68: {  	s6 =	simm.s32 $0x0;
	[sflag:s30] =	ssyncadd.s32 $0xFFFFD800  }
0x69: {  	[spmem:s1] =	stream.indirect.scatter.add.f32 [tilespmem:s25], [sflag:$0x3], $0x80, s6, s31, $0xb8;
	[tilespmem:$0x19100] =	vst v63  }
0x6a: {  	_ =	swait.ge [sflag:s2], $0x80  }
0x6b: {  	[sflag:s2] =	ssyncset.done $0x0  }
0x6c: {  	[sflag:s2] =	ssyncadd.s32 $0xFFFFFF80  }
0x6d: {  	_ =	swait.ge [sflag:s5], $0x2800  }
0x6e: {  	[sflag:s5] =	ssyncset.done $0x0  }
0x6f: {  	[sflag:s5] =	ssyncadd.s32 $0xFFFFD800  }
0x70: {  	[spmem:s1] =	stream.indirect.scatter.add.f32 [tilespmem:s28], [sflag:$0x4], $0x80, s26, s31, $0xb8;
	[tilespmem:$0x19100] =	vst v63  }
0x71: {  	_ =	swait.ge [sflag:s0], $0x2800  }
0x72: {  	[sflag:s0] =	ssyncset.done $0x0  }
0x73: {  	[sflag:s0] =	ssyncadd.s32 $0xFFFFD800  }
0x74: {  	_ =	swait.ge [sflag:s9], $0x2800  }
0x75: {  	[sflag:s9] =	ssyncset.done $0x0  }
0x76: {  	[sflag:s9] =	ssyncadd.s32 $0xFFFFD800  }
0x77: {  	[bflag:$0x0] =	sbarrier.arrive $0xFFFF  }
0x78: {  	s10 =	simm.s32 $0x8;
	s11 =	simm.s32 $0x200;
	s8 =	rddreg [dreg:$0x8]  }
0x79: {  	[hbm:s8@s11], [sflag:s7] =	dma.strided [spmem:s14@s26], $0x2800, s10, $0x10   }
0x7a: {  	_ =	swait.ge [sflag:s22], $0x2800  }
0x7b: {  	[sflag:s22] =	ssyncset.done $0x0  }
0x7c: {  	[sflag:s22] =	ssyncadd.s32 $0xFFFFD800  }
0x7d: {  	[bflag:$0x0] =	sbarrier.arrive $0xFFFF  }
0x7e: {  	[spmem:s14], [sflag:s7] =	dma.local [hbm:s18], $0x2800  }
0x7f: {  	_ =	swait.ge [sflag:s22], $0x2800  }
0x80: {  	[sflag:s22] =	ssyncset.done $0x0  }
0x81: {  	[sflag:s22] =	ssyncadd.s32 $0xFFFFD800  }
0x82: {  	[bflag:$0x0] =	sbarrier.arrive $0xFFFF  }
0x83: {  	s12 =	rddreg [dreg:$0x4]  }
0x84: {  	[tilespmem:s6], [sflag:$0x5] =	stream.linear.gather [hbm4b:s12+s6], $0x80, $0x38;
	[tilespmem:$0x19100] =	vst v63  }
0x85: {  	s16 =	smov.u32 s18;
	s18 =	rddreg [dreg:$0x9]  }
0x86: {  	[tilespmem:s25], [sflag:$0x1] =	stream.strided.gather [hbm4b:s18+s23], $0x2800, s24, s23, $0x38;
	[tilespmem:$0x19100] =	vst v63  }
0x87: {  	s11 =	rddreg [dreg:$0x6]  }
0x88: {  	[tilespmem:s26], [sflag:$0x6] =	stream.linear.gather [hbm4b:s11+s6], $0x80, $0x38;
	[tilespmem:$0x19100] =	vst v63  }
0x89: {  	s12 =	rddreg [dreg:$0xa]  }
0x8a: {  	[tilespmem:s28], [sflag:$0x2] =	stream.strided.gather [hbm4b:s12+s23], $0x2800, s24, s23, $0x38;
	[tilespmem:$0x19100] =	vst v63  }
0x8b: {  	_ =	swait.ge [sflag:s29], $0x80  }
0x8c: {  	[sflag:s29] =	ssyncset.done $0x0  }
0x8d: {  	[sflag:s29] =	ssyncadd.s32 $0xFFFFFF80  }
0x8e: {  	_ =	swait.ge [sflag:s30], $0x2800  }
0x8f: {  	[sflag:s30] =	ssyncset.done $0x0  }
0x90: {  	[sflag:s30] =	ssyncadd.s32 $0xFFFFD800  }
0x91: {  	[spmem:s1] =	stream.indirect.scatter.add.f32 [tilespmem:s25], [sflag:$0x3], $0x80, s3, s31, $0xb8;
	[tilespmem:$0x19100] =	vst v63  }
0x92: {  	_ =	swait.ge [sflag:s0], $0x2800  }
0x93: {  	[sflag:s0] =	ssyncset.done $0x0  }
0x94: {  	[sflag:s0] =	ssyncadd.s32 $0xFFFFD800  }
0x95: {  	[tilespmem:s3], [sflag:$0x5] =	stream.linear.gather [hbm4b:s15+s3], $0x80, $0x38;
	[tilespmem:$0x19100] =	vst v63  }
0x96: {  	s18 =	sadd.s32 $0x0, s21  }
0x97: {  	[tilespmem:s25], [sflag:$0x1] =	stream.strided.gather [hbm4b:s18+s23], $0x2800, s24, s23, $0x38;
	[tilespmem:$0x19100] =	vst v63  }
0x98: {  	_ =	swait.ge [sflag:s2], $0x80  }
0x99: {  	[sflag:s2] =	ssyncset.done $0x0  }
0x9a: {  	[sflag:s2] =	ssyncadd.s32 $0xFFFFFF80  }
0x9b: {  	_ =	swait.ge [sflag:s5], $0x2800  }
0x9c: {  	[sflag:s5] =	ssyncset.done $0x0  }
0x9d: {  	[sflag:s5] =	ssyncadd.s32 $0xFFFFD800  }
0x9e: {  	[spmem:s1] =	stream.indirect.scatter.add.f32 [tilespmem:s28], [sflag:$0x4], $0x80, s26, s31, $0xb8;
	[tilespmem:$0x19100] =	vst v63  }
0x9f: {  	_ =	swait.ge [sflag:s9], $0x2800  }
0xa0: {  	s11 =	simm.s32 $0x2800;
	[sflag:s9] =	ssyncset.done $0x0  }
0xa1: {  	s6 =	sadd.s32 $0x0, s20;
	s12 =	sadd.s32 $0x20, s19;
	[sflag:s9] =	ssyncadd.s32 $0xFFFFD800  }
0xa2: {  	[tilespmem:s26], [sflag:$0x6] =	stream.linear.gather [hbm4b:s19+s3], $0x80, $0x38;
	[tilespmem:$0x19100] =	vst v63  }
.LBB2_4:
0xa3: {  	[tilespmem:s28], [sflag:$0x2] =	stream.strided.gather [hbm4b:s6+s23], $0x2800, s24, s23, $0x38;
	[tilespmem:$0x19100] =	vst v63  }
0xa4: {  	s6 =	smov.u32 s11  }
0xa5: {  	p0 =	sne.s32 s11, $0x133800;
	s11 =	sadd.s32 $0x2800, s11;
	_ =	swait.ge [sflag:s29], $0x80  }
0xa6: {  	[sflag:s29] =	ssyncset.done $0x0  }
0xa7: {  	[sflag:s29] =	ssyncadd.s32 $0xFFFFFF80  }
0xa8: {  	_ =	swait.ge [sflag:s30], $0x2800  }
0xa9: {  	[sflag:s30] =	ssyncset.done $0x0  }
0xaa: {  	[sflag:s30] =	ssyncadd.s32 $0xFFFFD800  }
0xab: {  	[spmem:s1] =	stream.indirect.scatter.add.f32 [tilespmem:s25], [sflag:$0x3], $0x80, s3, s31, $0xb8;
	[tilespmem:$0x19100] =	vst v63  }
0xac: {  	_ =	swait.ge [sflag:s0], $0x2800  }
0xad: {  	[sflag:s0] =	ssyncset.done $0x0  }
0xae: {  	s8 =	sadd.s32 $0xFFFFFFF0, s12;
	[sflag:s0] =	ssyncadd.s32 $0xFFFFD800  }
0xaf: {  	[tilespmem:s3], [sflag:$0x5] =	stream.linear.gather [hbm4b:s8+s3], $0x80, $0x38;
	[tilespmem:$0x19100] =	vst v63  }
0xb0: {  	s8 =	sadd.s32 s6, s21  }
0xb1: {  	[tilespmem:s25], [sflag:$0x1] =	stream.strided.gather [hbm4b:s8+s23], $0x2800, s24, s23, $0x38;
	[tilespmem:$0x19100] =	vst v63  }
0xb2: {  	_ =	swait.ge [sflag:s2], $0x80  }
0xb3: {  	[sflag:s2] =	ssyncset.done $0x0  }
0xb4: {  	[sflag:s2] =	ssyncadd.s32 $0xFFFFFF80  }
0xb5: {  	_ =	swait.ge [sflag:s5], $0x2800  }
0xb6: {  	[sflag:s5] =	ssyncset.done $0x0  }
0xb7: {  	[sflag:s5] =	ssyncadd.s32 $0xFFFFD800  }
0xb8: {  	[spmem:s1] =	stream.indirect.scatter.add.f32 [tilespmem:s28], [sflag:$0x4], $0x80, s26, s31, $0xb8;
	[tilespmem:$0x19100] =	vst v63  }
.Ltmp1:
0xb9: {  	_ =	swait.ge [sflag:s9], $0x2800;
	(pc) =	sbr.rel @p0 .LBB2_4-.Ltmp1, $4  }
0xba: {  	[sflag:s9] =	ssyncset.done $0x0  }
0xbb: {  	[sflag:s9] =	ssyncadd.s32 $0xFFFFD800  }
0xbc: {  	[tilespmem:s26], [sflag:$0x6] =	stream.linear.gather [hbm4b:s12+s3], $0x80, $0x38;
	[tilespmem:$0x19100] =	vst v63  }
0xbd: {  	s6 =	sadd.s32 s6, s20;
	s12 =	sadd.s32 $0x20, s12  }
0xbe: {  	[tilespmem:s28], [sflag:$0x2] =	stream.strided.gather [hbm4b:s6+s23], $0x2800, s24, s23, $0x38;
	[tilespmem:$0x19100] =	vst v63  }
0xbf: {  	_ =	swait.ge [sflag:s29], $0x80  }
0xc0: {  	[sflag:s29] =	ssyncset.done $0x0  }
0xc1: {  	[sflag:s29] =	ssyncadd.s32 $0xFFFFFF80  }
0xc2: {  	_ =	swait.ge [sflag:s30], $0x2800  }
0xc3: {  	[sflag:s30] =	ssyncset.done $0x0  }
0xc4: {  	[sflag:s30] =	ssyncadd.s32 $0xFFFFD800  }
0xc5: {  	[spmem:s1] =	stream.indirect.scatter.add.f32 [tilespmem:s25], [sflag:$0x3], $0x80, s3, s31, $0xb8;
	[tilespmem:$0x19100] =	vst v63  }
0xc6: {  	_ =	swait.ge [sflag:s2], $0x80  }
0xc7: {  	[sflag:s2] =	ssyncset.done $0x0  }
0xc8: {  	[sflag:s2] =	ssyncadd.s32 $0xFFFFFF80  }
0xc9: {  	_ =	swait.ge [sflag:s5], $0x2800  }
0xca: {  	[sflag:s5] =	ssyncset.done $0x0  }
0xcb: {  	[sflag:s5] =	ssyncadd.s32 $0xFFFFD800  }
0xcc: {  	[spmem:s1] =	stream.indirect.scatter.add.f32 [tilespmem:s28], [sflag:$0x4], $0x80, s26, s31, $0xb8;
	[tilespmem:$0x19100] =	vst v63  }
0xcd: {  	_ =	swait.ge [sflag:s0], $0x2800  }
0xce: {  	[sflag:s0] =	ssyncset.done $0x0  }
0xcf: {  	[sflag:s0] =	ssyncadd.s32 $0xFFFFD800  }
0xd0: {  	_ =	swait.ge [sflag:s9], $0x2800  }
0xd1: {  	[sflag:s9] =	ssyncset.done $0x0  }
0xd2: {  	[sflag:s9] =	ssyncadd.s32 $0xFFFFD800  }
0xd3: {  	[bflag:$0x0] =	sbarrier.arrive $0xFFFF  }
0xd4: {  	s8 =	simm.s32 $0x200;
	s15 =	rddreg [dreg:$0xb]  }
0xd5: {  	[hbm:s15@s8], [sflag:s7] =	dma.strided [spmem:s14@s26], $0x2800, s10, $0x10   }
0xd6: {  	_ =	swait.ge [sflag:s22], $0x2800  }
0xd7: {  	s13 =	sadd.s32 $0x1, s13;
	s18 =	rddreg [dreg:$0xc]  }
0xd8: {  	p0 =	sne.s32 s13, s18  }
.Ltmp2:
0xd9: {  	_ = 	snop;
	(pc) =	sbr.rel @p0 .LBB2_1-.Ltmp2, $3  }
0xda: {  	[sflag:s22] =	ssyncset.done $0x0  }
0xdb: {  	[sflag:s22] =	ssyncadd.s32 $0xFFFFD800  }
0xdc: {  	[bflag:$0x0] =	sbarrier.arrive $0xFFFF;
	_ =	sdelay $0x1  }
0xdd: {  	_ =	sfence.sel $0x180000  }
0xde: {  	[bflag:$0x0] =	sbarrier.arrive $0xFFFF  }
0xdf: {  	_ =	strace $0x9000004A  }
0xe0: {  	s0 =	stileid.u32;
	[bflag:$0x2] =	sbarrier.arrive $0xFFFF  }
0xe1: {  	p0 =	sne.s32 s0, $0x0;
	s0 =	rddreg [dreg:$0x2]  }
0xe2: {  	s0 =	sadd.s32 @!p0 $0x100000, s0  }
0xe3: {  	[sflag:s0] =	ssyncadd.tile.s32 @!p0 $0x1;
	_ =	shalt  }
.Lfunc_end2:
_tile_overlayer_lowered:
.L_overlay_start_2:
0xe4: {  	(tag) =	ssettag $0x2  }
0xe5: {  	s0 =	rddreg [dreg:$0x0];
	s2 =	stileid.u32  }
0xe6: {  	s1 =	rddreg [dreg:$0x1];
	p0 =	sne.s32 s2, $0x0  }
0xe7: {  	s3 =	rddreg [dreg:$0x2];
	[bflag:$0x3] =	sbarrier.arrive $0xFFFF;
	s2 =	simm.s32 @!p0 $0x1C07  }
0xe8: {  	[timem:s3], [sflag:s2] =	dma.local @!p0 [hbm:s0], s1  }
0xe9: {  	s0 =	simm.s32 @!p0 $0x7  }
0xea: {  	_ =	swait.ge @!p0 [sflag:s0], s1  }
0xeb: {  	s1 =	ssub.s32 @!p0 $0x0, s1;
	[sflag:s0] =	ssyncset.done @!p0 $0x0  }
0xec: {  	[sflag:s0] =	ssyncadd.s32 @!p0 s1  }
0xed: {  	[bflag:$0x3] =	sbarrier.arrive $0xFFFF  }
0xee: {  	_ =	shalt  }

// kernel: kernel.7.cloned.1.call-start
scs
__scs_entry_jumppad:
0x0: {  	(pc) =	sbr.rel $0x88, $3  }
0x1: {  	(tag) =	ssettag $0x0;
	lr =	simm.s32 $0x1  }
0x2: {  	[smem:$0x3F96] =	sst lr;
	_ =	strace $0xD0000000  }
0x3: {  	_ = 	snop  }
0x4: {  	_ = 	snop  }
0x5: {  	_ = 	snop  }
0x6: {  	_ = 	snop  }
0x7: {  	_ = 	snop  }
__scs_overlays_trampoline_lowered:
0x8: {  	[smem:$0x3FA5] =	sst s0  }
0x9: {  	[smem:$0x3FA6] =	sst s1  }
0xa: {  	[smem:$0x3FA7] =	sst s2  }
0xb: {  	[smem:$0x3FA8] =	sst s3  }
0xc: {  	[smem:$0x3FA9] =	sst s4  }
0xd: {  	[smem:$0x3FAA] =	sst s5  }
0xe: {  	[smem:$0x3FAB] =	sst s6  }
0xf: {  	[smem:$0x3FAC] =	sst s7  }
0x10: {  	[smem:$0x3FAD] =	sst s8  }
0x11: {  	[smem:$0x3FAE] =	sst s9;
	s0 =	simm.s32 @!p0 $0x0  }
0x12: {  	s1 =	sld [smem:$0x3F94];
	s0 =	simm.s32 @p0 $0x1  }
0x13: {  	[smem:$0x3FAF] =	sst s0;
	s0 =	simm.s32 @!p1 $0x0  }
0x14: {  	s2 =	sld [smem:$0x3F93];
	s0 =	simm.s32 @p1 $0x1  }
0x15: {  	[smem:$0x3FB0] =	sst s0;
	s0 =	simm.s32 @!p2 $0x0  }
0x16: {  	s3 =	sld [smem:$0x3FDB];
	s0 =	simm.s32 @p2 $0x1  }
0x17: {  	s4 =	simm.s32 $0x1BF5;
	[smem:$0x3FB2] =	sst s0  }
0x18: {  	s0 =	sld [smem:$0x3F95];
	_ =	swait.ge [sflag:s4], $0x0  }
0x19: {  	s7 =	sld [smem:$0x3F96]  }
0x1a: {  	s8 =	sadd.s32 $0xFFFFE003, lr  }
0x1b: {  	s9 =	sadd.s32 $0xFFFFFEF7, lr;
	s5 =	simm.s32 $0xFFFFFFFF;
	p2 =	slt.u32 s8, $0xFFFFF086  }
0x1c: {  	p1 =	slt.u32 s9, $0xF7A;
	s5 =	simm.s32 @!p2 $0x0  }
0x1d: {  	s5 =	simm.s32 @p1 $0x1;
	p0 =	seq.s32 s7, s2  }
0x1e: {  	s7 =	smul.u32 @!p0 $0xF7A, s2;
	p2 =	seq.s32 @!p0 s5, $0x0  }
0x1f: {  	s9 =	smul.u32 $0xF7A, s1;
	s8 =	simm.s32 @!p0 $0x1BF5;
	p2 =	por !p2, p0  }
0x20: {  	[sflag:s8] =	ssyncset.s32 @!p0 $0xFFFFF086;
	s6 =	sadd.s32 @!p0 s3, s7;
	s7 =	simm.s32 @!p0 $0x108  }
0x21: {  	s3 =	sadd.s32 s3, s9;
	s6 =	sadd.s32 @!p0 $0x88, s6;
	s7 =	simm.s32 @p2 $0x1082  }
0x22: {  	[simem:s7], [sflag:s8] =	dma.local @!p0 [hbm:s6], $0xF7A  }
0x23: {  	s9 =	sor.u32 $0xD0000000, s2;
	s6 =	simm.s32 $0x108;
	_ =	swait.ge @!p0 [sflag:s8], $0x0  }
0x24: {  	s3 =	sadd.s32 $0x88, s3;
	s6 =	simm.s32 @!p1 $0x1082;
	[sflag:s4] =	ssyncset.s32 $0xFFFFF086  }
0x25: {  	[simem:s6], [sflag:s4] =	dma.local [hbm:s3], $0xF7A  }
0x26: {  	[smem:$0x3F96] =	sst s1;
	(tag) =	ssettag s2;
	_ =	strace s9  }
0x27: {  	s1 =	sld [smem:$0x3FA6]  }
0x28: {  	s2 =	sld [smem:$0x3FA7]  }
0x29: {  	s4 =	sld [smem:$0x3FA9]  }
0x2a: {  	p0 =	seq.s32 s5, $0x0;
	s5 =	sld [smem:$0x3FAA]  }
0x2b: {  	s6 =	sld [smem:$0x3FAB]  }
0x2c: {  	s7 =	sld [smem:$0x3FAC]  }
0x2d: {  	s3 =	simm.s32 $0x108;
	s8 =	sld [smem:$0x3FAD]  }
0x2e: {  	s3 =	simm.s32 @!p0 $0x1082;
	s9 =	sld [smem:$0x3FAE]  }
0x2f: {  	lr =	sadd.s32 s0, s3;
	s0 =	sld [smem:$0x3FA5]  }
0x30: {  	s3 =	sld [smem:$0x3FA8]  }
0x31: {  	[smem:$0x3FB1] =	sst s10  }
0x32: {  	s10 =	sld [smem:$0x3FAF];
	_ =	sdelay $0x3  }
0x33: {  	p0 =	seq.s32 s10, $0x1;
	s10 =	sld [smem:$0x3FB1];
	_ =	sdelay $0x3  }
0x34: {  	[smem:$0x3FB1] =	sst s10  }
0x35: {  	s10 =	sld [smem:$0x3FB0];
	_ =	sdelay $0x3  }
0x36: {  	p1 =	seq.s32 s10, $0x1;
	s10 =	sld [smem:$0x3FB1];
	_ =	sdelay $0x3  }
0x37: {  	[smem:$0x3FB1] =	sst s10  }
0x38: {  	s10 =	sld [smem:$0x3FB2]  }
0x39: {  	_ = 	snop;
	(pc) =	sbr.ind lr, $3  }
0x3a: {  	_ = 	snop  }
0x3b: {  	_ = 	snop  }
0x3c: {  	p2 =	seq.s32 s10, $0x1;
	s10 =	sld [smem:$0x3FB1]  }
0x3d: {  	_ =	shalt  }
0x3e: {  	_ =	shalt  }
0x3f: {  	_ =	shalt  }
0x40: {  	_ =	shalt  }
0x41: {  	_ =	shalt  }
0x42: {  	_ =	shalt  }
0x43: {  	_ =	shalt  }
0x44: {  	_ =	shalt  }
0x45: {  	_ =	shalt  }
0x46: {  	_ =	shalt  }
0x47: {  	_ =	shalt  }
0x48: {  	_ =	shalt  }
0x49: {  	_ =	shalt  }
0x4a: {  	_ =	shalt  }
0x4b: {  	_ =	shalt  }
0x4c: {  	_ =	shalt  }
0x4d: {  	_ =	shalt  }
0x4e: {  	_ =	shalt  }
0x4f: {  	_ =	shalt  }
0x50: {  	_ =	shalt  }
0x51: {  	_ =	shalt  }
0x52: {  	_ =	shalt  }
0x53: {  	_ =	shalt  }
0x54: {  	_ =	shalt  }
0x55: {  	_ =	shalt  }
0x56: {  	_ =	shalt  }
0x57: {  	_ =	shalt  }
0x58: {  	_ =	shalt  }
0x59: {  	_ =	shalt  }
0x5a: {  	_ =	shalt  }
0x5b: {  	_ =	shalt  }
0x5c: {  	_ =	shalt  }
0x5d: {  	_ =	shalt  }
0x5e: {  	_ =	shalt  }
0x5f: {  	_ =	shalt  }
0x60: {  	_ =	shalt  }
0x61: {  	_ =	shalt  }
0x62: {  	_ =	shalt  }
0x63: {  	_ =	shalt  }
0x64: {  	_ =	shalt  }
0x65: {  	_ =	shalt  }
0x66: {  	_ =	shalt  }
0x67: {  	_ =	shalt  }
0x68: {  	_ =	shalt  }
0x69: {  	_ =	shalt  }
0x6a: {  	_ =	shalt  }
0x6b: {  	_ =	shalt  }
0x6c: {  	_ =	shalt  }
0x6d: {  	_ =	shalt  }
0x6e: {  	_ =	shalt  }
0x6f: {  	_ =	shalt  }
0x70: {  	_ =	shalt  }
0x71: {  	_ =	shalt  }
0x72: {  	_ =	shalt  }
0x73: {  	_ =	shalt  }
0x74: {  	_ =	shalt  }
0x75: {  	_ =	shalt  }
0x76: {  	_ =	shalt  }
0x77: {  	_ =	shalt  }
0x78: {  	_ =	shalt  }
0x79: {  	_ =	shalt  }
0x7a: {  	_ =	shalt  }
0x7b: {  	_ =	shalt  }
0x7c: {  	_ =	shalt  }
0x7d: {  	_ =	shalt  }
0x7e: {  	_ =	shalt  }
0x7f: {  	_ =	shalt  }
0x80: {  	_ =	shalt  }
0x81: {  	_ =	shalt  }
0x82: {  	_ =	shalt  }
0x83: {  	_ =	shalt  }
0x84: {  	_ =	shalt  }
0x85: {  	_ =	shalt  }
0x86: {  	_ =	shalt  }
0x87: {  	_ =	shalt  }
.Lfunc_end0:
.L_simem_size_0:
called_computation_lowered:
.L_overlay_start_0:
0x88: {  	s2 =	sld [smem:$0x3FD9]  }
0x89: {  	s3 =	sld [smem:$0x3FFE];
	_ =	sdelay $0x1  }
0x8a: {  	s1 =	srdreg.scid  }
0x8b: {  	s0 =	sand.u32 $0x1, s1  }
0x8c: {  	s16 =	sshll.u32 s0, $0xA;
	s2 =	sadd.s32 s3, s2  }
0x8d: {  	s2 =	sadd.s32 s2, s16  }
0x8e: {  	[smem:$0x3FBD] =	sst s2  }
0x8f: {  	_ = 	snop  }
0x90: {  	(tm) =	ssettm $0x1  }
0x91: {  	s17 =	sld [smem:$0x3FFB];
	_ =	sdelay $0x3  }
0x92: {  	_ =	strace s17  }
0x93: {  	s2 =	sld [smem:$0x3FFC];
	_ =	sdelay $0x3  }
0x94: {  	_ =	strace s2  }
0x95: {  	s2 =	sld [smem:$0x3FFD];
	_ =	sdelay $0x3  }
0x96: {  	_ =	strace s2  }
0x97: {  	_ =	strace $0x8FFFFFFF  }
0x98: {  	s18 =	sld [smem:$0x3FDB];
	_ =	sdelay $0x1  }
0x99: {  	s19 =	simm.s32 $_scs_section_size  }
0x9a: {  	s4 =	simm.s32 $_size__tile_overlayer_lowered;
	s5 =	simm.s32 $_tile_overlayer_lowered  }
0x9b: {  	s22 =	simm.s32 $0x1BFF;
	s21 =	sshll.u32 s5, $0x1;
	s2 =	sadd.s32 s19, s18  }
0x9c: {  	s6 =	simm.s32 $0x0;
	s20 =	sshll.u32 s4, $0x1;
	s4 =	sadd.s32 s21, s2  }
0x9d: {  	[timem:s6], [sflag:s22] =	dma.local [hbm:s4], s20  }
0x9e: {  	_ =	swait.ge [sflag:s22], s20  }
0x9f: {  	s3 =	ssub.s32 $0x0, s20;
	[sflag:s22] =	ssyncset.done $0x0  }
0xa0: {  	[sflag:s22] =	ssyncadd.s32 s3;
	_ =	sdelay $0x1  }
0xa1: {  	s23 =	simm.s32 $0x1B8B  }
0xa2: {  	_ =	swait.ge [sflag:s23], $0x1  }
0xa3: {  	[sflag:s23] =	ssyncset.done $0x0  }
0xa4: {  	s25 =	simm.s32 $0x1B8E;
	s24 =	sld [smem:$0x3FFE];
	[sflag:s23] =	ssyncadd.s32 $0xFFFFFFFF  }
0xa5: {  	s26 =	simm.s32 $execute0_lowered;
	[smem:$0x3FD2] =	sst s25  }
0xa6: {  	s4 =	sshll.u32 s26, $0x1;
	_ =	strace $0x80000046;
	[dreg:$0x1] =	wrdreg $0xFFFFFFFF  }
0xa7: {  	s28 =	simm.s32 $_size_execute0_lowered;
	s2 =	sadd.s32 s2, s4;
	[dreg:$0x0] =	wrdreg $0x0  }
0xa8: {  	s4 =	sshll.u32 s28, $0x1;
	[dreg:$0x2] =	wrdreg s2  }
0xa9: {  	[dreg:$0x3] =	wrdreg s4  }
0xaa: {  	[dreg:$0x4] =	wrdreg $0xC0  }
0xab: {  	_ =	task [dreg:s6], $0x5FFFF  }
0xac: {  	[dreg:$0x1] =	wrdreg $0xFFFFFFFF  }
0xad: {  	[dreg:$0x0] =	wrdreg $0x60  }
0xae: {  	[dreg:$0x2] =	wrdreg s24  }
0xaf: {  	[dreg:$0x3] =	wrdreg $0x9  }
0xb0: {  	_ =	task.clear_ibuf [dreg:s6], $0x4FFFF;
	_ =	strace $0x90000046  }
0xb1: {  	s29 =	simm.s32 $0x9;
	_ =	strace $0x80000048  }
0xb2: {  	_ =	swait.ge [sflag:s29], $0x1  }
0xb3: {  	[sflag:s29] =	ssyncadd.s32 $0xFFFFFFFF  }
0xb4: {  	_ =	strace $0x90000048  }
0xb5: {  	_ =	sfence  }
0xb6: {  	s30 =	sld [smem:$0x0];
	_ =	sdelay $0x2  }
0xb7: {  	s31 =	sshll.u32 s1, $0xD;
	s1 =	sshrl.u32 s1, $0x2  }
0xb8: {  	s3 =	sand.u32 $0x4000, s31;
	s1 =	sadd.s32 s1, s30  }
0xb9: {  	s0 =	sor.u32 s3, s0;
	s1 =	sshll.u32 s1, $0x11  }
0xba: {  	s0 =	sor.u32 s1, s0  }
0xbb: {  	s0 =	sadd.s32 $0x8F2B, s0  }
0xbc: {  	[sflag:s0] =	ssyncadd.remote.s32 $0x1  }
0xbd: {  	_ =	sfence.sel $0xFFFF  }
0xbe: {  	[dreg:$0x0] =	wrdreg $0xFFFFFFFF;
	(pc) =	sbr.abs _section_cstart, $3  }
0xbf: {  	[dreg:$0x1] =	wrdreg $0xFFFFFFFF  }
0xc0: {  	_ =	task.clear_ibuf [dreg:s6], $0x2FFFF;
	_ =	strace $0x9FFFFFFF  }
0xc1: {  	(tm) =	ssettm $0x7FFFFFFF  }
tec
execute0_lowered:
.L_overlay_start_1:
0x0: {  	(tag) =	ssettag $0x1  }
0x1: {  	s4 =	rddreg [dreg:$0x0]  }
0x2: {  	s0 =	rddreg [dreg:$0x1];
	s2 =	simm.s32 $0x0  }
0x3: {  	s3 =	srdreg.scid;
	s1 =	stileid.u32;
	s12 =	simm.s32 $0x4000  }
0x4: {  	s13 =	simm.s32 $0x80;
	s14 =	simm.s32 $0x6800;
	s15 =	simm.s32 $0x1  }
0x5: {  	s16 =	simm.s32 $0x3;
	s17 =	simm.s32 $0x2;
	s18 =	simm.s32 $0x4  }
0x6: {  	s19 =	simm.s32 $0x3E00;
	s20 =	simm.s32 $0x0;
	[smem:$0x7FF] =	sst s2  }
0x7: {  	s7 =	sand.u32 $0x1, s3;
	s5 =	sshll.u32 s1, $0x1;
	s3 =	sadd.s32 $0x1C600, s4  }
0x8: {  	s10 =	sadd.s32 $0x43800, s4;
	s31 =	smul.u32 $0x4E200, s1;
	_ =	strace $0x80000047  }
0x9: {  	s5 =	sor.u32 s7, s5;
	s6 =	ssub.s32 $0x2, s7;
	s11 =	smul.u32 $0x27100, s7  }
0xa: {  	s8 =	sshll.u32 s5, $0xB;
	s9 =	sshrl.u32 s6, $0x1;
	s5 =	smul.u32 $0x27100, s5  }
0xb: {  	s8 =	sadd.s32 s8, s4;
	s6 =	ssub.s32 s6, s9;
	s9 =	sadd.s32 s31, s10  }
0xc: {  	s4 =	sadd.s32 $0xC600, s8;
	s30 =	sadd.s32 s10, s5;
	s6 =	smax.u32 s6, $0x1  }
0xd: {  	s9 =	sadd.s32 s11, s9;
	s10 =	simm.s32 $0x5;
	s11 =	simm.s32 $0x50  }
0xe: {  	s5 =	sadd.s32 $0x26C00, s30;
	s7 =	sadd.s32 $0x26200, s30;
	s8 =	sadd.s32 $0x26700, s30  }
.LBB2_1:
0xf: {  	[tilespmem:s2], [sflag:$0x5] =	stream.linear.gather [hbm4b:s4+s2], $0x3E80, $0x38;
	[tilespmem:$0x9000] =	vst v63  }
0x10: {  	_ =	swait.ge [sflag:s10], $0x3E80  }
0x11: {  	[sflag:s10] =	ssyncset.done $0x0  }
0x12: {  	[sflag:s10] =	ssyncadd.s32 $0xFFFFC180  }
0x13: {  	[tilespmem:s12], [sflag:$0x1] =	stream.indirect.gather [hbm4b:s3+s11], $0x80, s2, s11, $0xb8;
	[tilespmem:$0x9000] =	vst v63  }
0x14: {  	_ = 	snop  }
0x15: {  	[tilespmem:s14], [sflag:$0x2] =	stream.indirect.gather [hbm4b:s3+s11], $0x80, s13, s11, $0xb8;
	[tilespmem:$0x9000] =	vst v63  }
0x16: {  	_ =	swait.ge [sflag:s15], $0x2800  }
0x17: {  	[sflag:s15] =	ssyncset.done $0x0  }
0x18: {  	s21 =	sadd.s32 $0x0, s9;
	[sflag:s15] =	ssyncadd.s32 $0xFFFFD800  }
0x19: {  	[hbm4b:s21+s2] =	stream.linear.scatter [tilespmem:s12], [sflag:$0x3], $0x2800, $0x38;
	[tilespmem:$0x9000] =	vst v63  }
0x1a: {  	_ =	swait.ge [sflag:s16], $0x2800  }
0x1b: {  	[sflag:s16] =	ssyncset.done $0x0  }
0x1c: {  	s22 =	simm.s32 $0x100;
	[sflag:s16] =	ssyncadd.s32 $0xFFFFD800  }
0x1d: {  	[tilespmem:s12], [sflag:$0x1] =	stream.indirect.gather [hbm4b:s3+s11], $0x80, s22, s11, $0xb8;
	[tilespmem:$0x9000] =	vst v63  }
0x1e: {  	_ =	swait.ge [sflag:s17], $0x2800  }
0x1f: {  	[sflag:s17] =	ssyncset.done $0x0  }
0x20: {  	s21 =	sadd.s32 $0x500, s21;
	[sflag:s17] =	ssyncadd.s32 $0xFFFFD800  }
0x21: {  	[hbm4b:s21+s2] =	stream.linear.scatter [tilespmem:s14], [sflag:$0x4], $0x2800, $0x38;
	[tilespmem:$0x9000] =	vst v63  }
0x22: {  	_ =	swait.ge [sflag:s18], $0x2800  }
0x23: {  	s23 =	simm.s32 $0x280;
	[sflag:s18] =	ssyncset.done $0x0  }
0x24: {  	s22 =	simm.s32 $0xA00;
	s21 =	simm.s32 $0x180;
	[sflag:s18] =	ssyncadd.s32 $0xFFFFD800  }
.LBB2_2:
0x25: {  	[tilespmem:s14], [sflag:$0x2] =	stream.indirect.gather [hbm4b:s3+s11], $0x80, s21, s11, $0xb8;
	[tilespmem:$0x9000] =	vst v63  }
0x26: {  	s24 =	smov.u32 s22;
	s21 =	smov.u32 s23  }
0x27: {  	p0 =	sne.s32 s22, $0x25800;
	s22 =	sadd.s32 $0xA00, s22;
	_ =	swait.ge [sflag:s15], $0x2800  }
0x28: {  	[sflag:s15] =	ssyncset.done $0x0  }
0x29: {  	s24 =	sadd.s32 s24, s9;
	[sflag:s15] =	ssyncadd.s32 $0xFFFFD800  }
0x2a: {  	[hbm4b:s24+s2] =	stream.linear.scatter [tilespmem:s12], [sflag:$0x3], $0x2800, $0x38;
	[tilespmem:$0x9000] =	vst v63  }
0x2b: {  	_ =	swait.ge [sflag:s16], $0x2800  }
0x2c: {  	[sflag:s16] =	ssyncset.done $0x0  }
0x2d: {  	s25 =	sadd.s32 $0xFFFFFF80, s23;
	[sflag:s16] =	ssyncadd.s32 $0xFFFFD800  }
0x2e: {  	[tilespmem:s12], [sflag:$0x1] =	stream.indirect.gather [hbm4b:s3+s11], $0x80, s25, s11, $0xb8;
	[tilespmem:$0x9000] =	vst v63  }
0x2f: {  	_ =	swait.ge [sflag:s17], $0x2800  }
0x30: {  	[sflag:s17] =	ssyncset.done $0x0  }
.Ltmp0:
0x31: {  	s24 =	sadd.s32 $0x500, s24;
	[sflag:s17] =	ssyncadd.s32 $0xFFFFD800;
	(pc) =	sbr.rel @p0 .LBB2_2-.Ltmp0, $4  }
0x32: {  	[hbm4b:s24+s2] =	stream.linear.scatter [tilespmem:s14], [sflag:$0x4], $0x2800, $0x38;
	[tilespmem:$0x9000] =	vst v63  }
0x33: {  	_ =	swait.ge [sflag:s18], $0x2800  }
0x34: {  	[sflag:s18] =	ssyncset.done $0x0  }
0x35: {  	s23 =	sadd.s32 $0x100, s23;
	[sflag:s18] =	ssyncadd.s32 $0xFFFFD800  }
0x36: {  	[tilespmem:s14], [sflag:$0x2] =	stream.indirect.gather [hbm4b:s3+s11], $0x80, s21, s11, $0xb8;
	[tilespmem:$0x9000] =	vst v63  }
0x37: {  	_ =	swait.ge [sflag:s15], $0x2800  }
0x38: {  	[sflag:s15] =	ssyncset.done $0x0  }
0x39: {  	[sflag:s15] =	ssyncadd.s32 $0xFFFFD800  }
0x3a: {  	[hbm4b:s7+s2] =	stream.linear.scatter [tilespmem:s12], [sflag:$0x3], $0x2800, $0x38;
	[tilespmem:$0x9000] =	vst v63  }
0x3b: {  	_ =	swait.ge [sflag:s16], $0x2800  }
0x3c: {  	[sflag:s16] =	ssyncset.done $0x0  }
0x3d: {  	[sflag:s16] =	ssyncadd.s32 $0xFFFFD800  }
0x3e: {  	[tilespmem:s12], [sflag:$0x1] =	stream.indirect.gather [hbm4b:s3+s11], $0x80, s19, s11, $0xb8;
	[tilespmem:$0x9000] =	vst v63  }
0x3f: {  	_ =	swait.ge [sflag:s17], $0x2800  }
0x40: {  	[sflag:s17] =	ssyncset.done $0x0  }
0x41: {  	[sflag:s17] =	ssyncadd.s32 $0xFFFFD800  }
0x42: {  	[hbm4b:s8+s2] =	stream.linear.scatter [tilespmem:s14], [sflag:$0x4], $0x2800, $0x38;
	[tilespmem:$0x9000] =	vst v63  }
0x43: {  	_ =	swait.ge [sflag:s15], $0x2800  }
0x44: {  	[sflag:s15] =	ssyncset.done $0x0  }
0x45: {  	s20 =	sadd.s32 $0x1, s20;
	[sflag:s15] =	ssyncadd.s32 $0xFFFFD800  }
0x46: {  	[hbm4b:s5+s2] =	stream.linear.scatter [tilespmem:s12], [sflag:$0x3], $0x2800, $0x38;
	[tilespmem:$0x9000] =	vst v63  }
0x47: {  	p0 =	sne.s32 s20, s6;
	_ =	swait.ge [sflag:s18], $0x2800  }
.Ltmp1:
0x48: {  	[sflag:s18] =	ssyncset.done $0x0;
	(pc) =	sbr.rel @p0 .LBB2_1-.Ltmp1, $4  }
0x49: {  	[sflag:s18] =	ssyncadd.s32 $0xFFFFD800  }
0x4a: {  	_ =	swait.ge [sflag:s16], $0x2800  }
0x4b: {  	[sflag:s16] =	ssyncset.done $0x0  }
0x4c: {  	[sflag:s16] =	ssyncadd.s32 $0xFFFFD800  }
0x4d: {  	_ =	sfence.sel $0x180000  }
0x4e: {  	[bflag:$0x0] =	sbarrier.arrive $0xFFFF  }
0x4f: {  	p0 =	sne.s32 s1, $0x0;
	_ =	strace $0x90000047  }
0x50: {  	s0 =	sadd.s32 @!p0 $0x100000, s0;
	[bflag:$0x2] =	sbarrier.arrive $0xFFFF  }
0x51: {  	[sflag:s0] =	ssyncadd.tile.s32 @!p0 $0x1;
	_ =	shalt  }
.Lfunc_end2:
_tile_overlayer_lowered:
.L_overlay_start_2:
0x52: {  	(tag) =	ssettag $0x2  }
0x53: {  	s0 =	rddreg [dreg:$0x0];
	s2 =	stileid.u32  }
0x54: {  	s1 =	rddreg [dreg:$0x1];
	p0 =	sne.s32 s2, $0x0  }
0x55: {  	s3 =	rddreg [dreg:$0x2];
	[bflag:$0x3] =	sbarrier.arrive $0xFFFF;
	s2 =	simm.s32 @!p0 $0x1C05  }
0x56: {  	[timem:s3], [sflag:s2] =	dma.local @!p0 [hbm:s0], s1  }
0x57: {  	s0 =	simm.s32 @!p0 $0x5  }
0x58: {  	_ =	swait.ge @!p0 [sflag:s0], s1  }
0x59: {  	s1 =	ssub.s32 @!p0 $0x0, s1;
	[sflag:s0] =	ssyncset.done @!p0 $0x0  }
0x5a: {  	[sflag:s0] =	ssyncadd.s32 @!p0 s1  }
0x5b: {  	[bflag:$0x3] =	sbarrier.arrive $0xFFFF  }
0x5c: {  	_ =	shalt  }

</sc_bundles>
